<compile_context>
chip_gen: v7x
topology: tpu7x:2x2x1
jax: 0.10.2.dev20260603
libtpu: 0.0.44.dev20260713+nightly
codegen_flags: <defaults>
</compile_context>

<pallas_src>
import functools

import jax
import jax.numpy as jnp
from jax import lax
from jax.experimental import pallas as pl
from jax.experimental.pallas import tpu as pltpu
from jax.experimental.pallas import tpu_sc as plsc

B, L, D = 16, 512, 256
NBINS = 256
MAXLEN = 2048
LP = L + 1



def _vp(xin, k, w1s_ref, b1s_ref, g1s_ref, be1s_ref,
        w2s_ref, b2s_ref, g2s_ref, be2s_ref, lws_ref, lbs_ref, keep_col):
    def conv_ln(h, w_ref, b_ref, g_ref, be_ref):
        hprev = jnp.concatenate([jnp.zeros((1, h.shape[1]), jnp.float32), h[:-1]], axis=0)
        hnext = jnp.concatenate([h[1:], jnp.zeros((1, h.shape[1]), jnp.float32)], axis=0)
        cat = jnp.concatenate([hprev, h, hnext], axis=1)
        y = jnp.dot(cat, w_ref[k], preferred_element_type=jnp.float32) + b_ref[k]
        y = jnp.maximum(y, 0.0)
        m = jnp.mean(y, axis=1, keepdims=True)
        v = jnp.mean((y - m) ** 2, axis=1, keepdims=True)
        return (y - m) * jax.lax.rsqrt(v + 1e-5) * g_ref[k] + be_ref[k]

    h = conv_ln(xin, w1s_ref, b1s_ref, g1s_ref, be1s_ref)
    h = conv_ln(h, w2s_ref, b2s_ref, g2s_ref, be2s_ref)
    out = jnp.sum(h * lws_ref[k], axis=1, keepdims=True) + lbs_ref[k]
    return out * keep_col


def _embed_body(x_ref, pt_ref, et_ref, dur_ref,
                pbins_ref, ebins_ref, pemb_ref, eemb_ref,
                x2_ref, fidx_ref, mmask_ref):
    b = pl.program_id(0)
    x = x_ref[0]

    lane_iota = lax.broadcasted_iota(jnp.int32, (1, NBINS), 1)

    def embed(t_col, bins_ref, emb_ref):
        cnt = jnp.sum((bins_ref[0][None, :] < t_col).astype(jnp.int32),
                      axis=1, keepdims=True)
        oh = (cnt == lane_iota).astype(jnp.float32)
        return jnp.dot(oh, emb_ref[...], preferred_element_type=jnp.float32)

    x1 = x + embed(pt_ref[0], pbins_ref, pemb_ref)
    x2 = x1 + embed(et_ref[0], ebins_ref, eemb_ref)
    x2_ref[0, pl.ds(0, L), :] = x2
    x2_ref[0, pl.ds(L, 1), :] = jnp.zeros((1, D), jnp.float32)

    dur_col = dur_ref[0].astype(jnp.float32)
    r = lax.broadcasted_iota(jnp.int32, (L, L), 0)
    c = lax.broadcasted_iota(jnp.int32, (L, L), 1)
    tri = (c <= r).astype(jnp.float32)
    cum_col = jnp.dot(tri, dur_col, preferred_element_type=jnp.float32)
    t_row = lax.broadcasted_iota(jnp.int32, (1, MAXLEN), 1).astype(jnp.float32)
    idx_row = jnp.sum((cum_col <= t_row).astype(jnp.int32), axis=0, keepdims=True)
    idx_row = jnp.minimum(idx_row, L - 1)
    mel_total = jnp.sum(dur_col)
    mel_len = jnp.minimum(mel_total, float(MAXLEN))
    mask_row = (t_row >= mel_len)
    ti = lax.broadcasted_iota(jnp.int32, (1, MAXLEN), 1)
    zrows = (ti & (B - 1)) * LP + L
    fidx_ref[0] = jnp.where(mask_row, zrows, b * LP + idx_row)
    mmask_ref[0] = mask_row.astype(jnp.int32)


def _embed_stage(x, pt_col, et_col, dur_col, pbins, ebins,
                 pitch_emb, energy_emb):
    full2 = lambda s: pl.BlockSpec(s, lambda b: (0, 0))
    per_b3 = lambda s: pl.BlockSpec(s, lambda b: (b, 0, 0))
    return pl.pallas_call(
        _embed_body,
        grid=(B,),
        in_specs=[
            per_b3((1, L, D)),
            per_b3((1, L, 1)),
            per_b3((1, L, 1)),
            per_b3((1, L, 1)),
            full2((1, NBINS)),
            full2((1, NBINS)),
            full2((NBINS, D)),
            full2((NBINS, D)),
        ],
        out_specs=[
            per_b3((1, LP, D)),
            per_b3((1, 1, MAXLEN)),
            per_b3((1, 1, MAXLEN)),
        ],
        out_shape=[
            jax.ShapeDtypeStruct((B, LP, D), jnp.float32),
            jax.ShapeDtypeStruct((B, 1, MAXLEN), jnp.int32),
            jax.ShapeDtypeStruct((B, 1, MAXLEN), jnp.int32),
        ],
    )(x, pt_col, et_col, dur_col, pbins, ebins, pitch_emb, energy_emb)


def _pred_body(x_ref, pt_ref, pbins_ref, pemb_ref, keep_ref,
               w1s_ref, b1s_ref, g1s_ref, be1s_ref,
               w2s_ref, b2s_ref, g2s_ref, be2s_ref, lws_ref, lbs_ref,
               ldp_ref, pp_ref, ep_ref):
    x = x_ref[0]
    keep_col = keep_ref[0]
    args = (w1s_ref, b1s_ref, g1s_ref, be1s_ref,
            w2s_ref, b2s_ref, g2s_ref, be2s_ref, lws_ref, lbs_ref, keep_col)
    ldp_ref[0] = _vp(x, 0, *args)
    pp_ref[0] = _vp(x, 1, *args)
    cmp = (pbins_ref[0][None, :] < pt_ref[0]).astype(jnp.float32)
    cnt = jnp.dot(cmp, jnp.ones((NBINS, 1), jnp.float32),
                  preferred_element_type=jnp.float32).astype(jnp.int32)
    oh = (cnt == lax.broadcasted_iota(jnp.int32, (1, NBINS), 1)).astype(jnp.float32)
    x1 = x + jnp.dot(oh, pemb_ref[...], preferred_element_type=jnp.float32)
    ep_ref[0] = _vp(x1, 2, *args)


def _pred_stage(x, pt_col, pbins, pitch_emb, keep_col, w1s, b1s, g1s, be1s,
                w2s, b2s, g2s, be2s, lws, lbs):
    full2 = lambda s: pl.BlockSpec(s, lambda b: (0, 0))
    full3 = lambda s: pl.BlockSpec(s, lambda b: (0, 0, 0))
    per_b3 = lambda s: pl.BlockSpec(s, lambda b: (b, 0, 0))
    return pl.pallas_call(
        _pred_body,
        grid=(B,),
        in_specs=[
            per_b3((1, L, D)),
            per_b3((1, L, 1)),
            full2((1, NBINS)),
            full2((NBINS, D)),
            per_b3((1, L, 1)),
            full3((3, 3 * D, D)),
            full3((3, 1, D)),
            full3((3, 1, D)),
            full3((3, 1, D)),
            full3((3, 3 * D, D)),
            full3((3, 1, D)),
            full3((3, 1, D)),
            full3((3, 1, D)),
            full3((3, 1, D)),
            full3((3, 1, 1)),
        ],
        out_specs=[
            per_b3((1, L, 1)),
            per_b3((1, L, 1)),
            per_b3((1, L, 1)),
        ],
        out_shape=[
            jax.ShapeDtypeStruct((B, L, 1), jnp.float32),
            jax.ShapeDtypeStruct((B, L, 1), jnp.float32),
            jax.ShapeDtypeStruct((B, L, 1), jnp.float32),
        ],
    )(x, pt_col, pbins, pitch_emb, keep_col, w1s, b1s, g1s, be1s, w2s, b2s,
      g2s, be2s, lws, lbs)


def _sc_gather(table, flat_idx):
    info = plsc.get_sparse_core_info()
    NC, NS = info.num_cores, info.num_subcores
    NW = NC * NS
    ROWS = flat_idx.shape[0]
    CH = 128
    total_ch = ROWS // CH
    n_ch0 = total_ch // NW
    n_ch1 = n_ch0
    n_ch_max = n_ch0
    NBUF = 3

    @functools.partial(
        pl.kernel,
        mesh=plsc.VectorSubcoreMesh(core_axis_name="c", subcore_axis_name="s"),
        out_type=jax.ShapeDtypeStruct((ROWS, D), jnp.float32),
        scratch_types=(
            [pltpu.VMEM((n_ch_max * CH,), jnp.int32)]
            + [pltpu.VMEM((CH, D), jnp.float32) for _ in range(NBUF)]
            + [pltpu.SemaphoreType.DMA for _ in range(2 * NBUF)]
        ),
    )
    def k(table_hbm, idx_hbm, out_hbm, idx_v, *bufs_and_sems):
        rows = bufs_and_sems[:NBUF]
        gsems = bufs_and_sems[NBUF:2 * NBUF]
        ssems = bufs_and_sems[2 * NBUF:]
        cid = lax.axis_index("c")
        sid = lax.axis_index("s")

        def run(base, n_ch):
            pltpu.sync_copy(idx_hbm.at[pl.ds(base, n_ch * CH)],
                            idx_v.at[pl.ds(0, n_ch * CH)])

            def gather(c):
                return pltpu.async_copy(
                    table_hbm.at[idx_v.at[pl.ds(c * CH, CH)]],
                    rows[c % NBUF], gsems[c % NBUF])

            def store(c):
                return pltpu.async_copy(
                    rows[c % NBUF], out_hbm.at[pl.ds(base + c * CH, CH)],
                    ssems[c % NBUF])

            gp = [None] * NBUF
            sp = [None] * NBUF
            for c in range(min(NBUF, n_ch)):
                gp[c % NBUF] = gather(c)
            for c in range(n_ch):
                i = c % NBUF
                gp[i].wait()
                sp[i] = store(c)
                nxt = c + NBUF
                if nxt < n_ch:
                    sp[i].wait()
                    gp[i] = gather(nxt)
            for s in sp:
                if s is not None:
                    s.wait()

        if n_ch0 == n_ch1:
            run((sid * NC + cid) * n_ch0 * CH, n_ch0)
        else:
            @pl.when(cid == 0)
            def _():
                run(sid * n_ch0 * CH, n_ch0)

            @pl.when(cid == 1)
            def _():
                run((NS * n_ch0 + sid * n_ch1) * CH, n_ch1)

    return k(table, flat_idx)


def kernel(x, src_mask, pitch_target, energy_target, duration_target, max_len,
           pitch_bins, energy_bins, pitch_emb, energy_emb, dp, pp, ep):
    def pack(params):
        w1, b1, g1, be1, w2, b2, g2, be2, lw, lb = params
        return (w1.reshape(3 * D, D), b1, g1, be1,
                w2.reshape(3 * D, D), b2, g2, be2, lw[:, 0], lb)

    packed = [pack(p) for p in (dp, pp, ep)]
    stack = lambda i: jnp.stack([p[i] for p in packed])
    w1s = stack(0)
    b1s = stack(1)[:, None, :]
    g1s = stack(2)[:, None, :]
    be1s = stack(3)[:, None, :]
    w2s = stack(4)
    b2s = stack(5)[:, None, :]
    g2s = stack(6)[:, None, :]
    be2s = stack(7)[:, None, :]
    lws = stack(8)[:, None, :]
    lbs = stack(9)[:, None, :]

    pbins = jnp.concatenate([pitch_bins, jnp.full((1,), 2.0, jnp.float32)])[None, :]
    ebins = jnp.concatenate([energy_bins, jnp.full((1,), 2.0, jnp.float32)])[None, :]
    pt_col = pitch_target[:, :, None]
    et_col = energy_target[:, :, None]
    dur_col = duration_target[:, :, None]
    keep_col = 1.0 - src_mask[:, :, None].astype(jnp.float32)

    x2t, fidx, mmask = _embed_stage(
        x, pt_col, et_col, dur_col, pbins, ebins, pitch_emb, energy_emb)

    out = _sc_gather(x2t.reshape(B * LP, D), fidx.reshape(B * MAXLEN))
    out = out.reshape(B, MAXLEN, D)

    ldp, ppred, epred = _pred_stage(
        x, pt_col, pbins, pitch_emb, keep_col, w1s, b1s, g1s, be1s,
        w2s, b2s, g2s, be2s, lws, lbs)

    log_duration_prediction = ldp.reshape(B, L)
    pitch_prediction = ppred.reshape(B, L)
    energy_prediction = epred.reshape(B, L)
    mel_len = jnp.minimum(jnp.sum(duration_target, axis=1), max_len)
    mel_mask = mmask.reshape(B, MAXLEN).astype(bool)
    return (out, pitch_prediction, energy_prediction, log_duration_prediction,
            duration_target, mel_len, mel_mask)

# --- scband reference (transcript-rebuilt; emitter-appended) ---
"""Pipeline reference for scband-variance-adaptor-11639361372306 (READ-ONLY COPY).

The authoritative reference and input builder live on the scoring server;
editing this copy changes nothing except your own understanding.
"""

import jax, jax.numpy as jnp
import numpy as np

B, L, D = 16, 512, 256
FILT = 256
NBINS = 256
MAXLEN = 2048
KS = 3

def _conv1d(x, w, b):
    pad = (w.shape[0] - 1) // 2
    y = jax.lax.conv_general_dilated(x, w, window_strides=(1,),
        padding=[(pad, pad)], dimension_numbers=('NWC', 'WIO', 'NWC'))
    return y + b

def _ln(x, g, b, eps=1e-5):
    m = jnp.mean(x, axis=-1, keepdims=True)
    v = jnp.mean((x - m) ** 2, axis=-1, keepdims=True)
    return (x - m) / jnp.sqrt(v + eps) * g + b

def _variance_predictor(x, mask, p):
    w1, b1, g1, be1, w2, b2, g2, be2, lw, lb = p
    h = jax.nn.relu(_conv1d(x, w1, b1))
    h = _ln(h, g1, be1)
    h = jax.nn.relu(_conv1d(h, w2, b2))
    h = _ln(h, g2, be2)
    out = (h @ lw + lb)[..., 0]
    return jnp.where(mask, 0.0, out)

def _length_regulate(x, duration, max_len):
    # vectorized LengthRegulator: frame t of batch b copies phoneme i where
    # cumsum(duration[b])[i-1] <= t < cumsum(duration[b])[i]
    cum = jnp.cumsum(duration, axis=1)
    mel_len = jnp.minimum(cum[:, -1], max_len)
    t = jnp.arange(MAXLEN)
    idx = jax.vmap(lambda c: jnp.searchsorted(c, t, side='right'))(cum)
    idx = jnp.clip(idx, 0, x.shape[1] - 1)
    out = jnp.take_along_axis(x, idx[:, :, None], axis=1)
    frame_mask = t[None, :] < mel_len[:, None]
    out = out * frame_mask[:, :, None].astype(x.dtype)
    return out, mel_len, ~frame_mask

def _pred_params(key, cin, cf, k):
    ks = jax.random.split(key, 4)
    w1 = (jax.random.normal(ks[0], (k, cin, cf)) / np.sqrt(k * cin)).astype(jnp.float32)
    b1 = jnp.zeros((cf,), jnp.float32)
    g1 = jnp.ones((cf,), jnp.float32); be1 = jnp.zeros((cf,), jnp.float32)
    w2 = (jax.random.normal(ks[1], (k, cf, cf)) / np.sqrt(k * cf)).astype(jnp.float32)
    b2 = jnp.zeros((cf,), jnp.float32)
    g2 = jnp.ones((cf,), jnp.float32); be2 = jnp.zeros((cf,), jnp.float32)
    lw = (jax.random.normal(ks[2], (cf, 1)) / np.sqrt(cf)).astype(jnp.float32)
    lb = jnp.zeros((1,), jnp.float32)
    return (w1, b1, g1, be1, w2, b2, g2, be2, lw, lb)

def setup_inputs(seed: int = 0):
    key = jax.random.key(seed)
    ks = jax.random.split(key, 10)
    x = jax.random.normal(ks[0], (B, L, D), dtype=jnp.float32)
    src_mask = jnp.zeros((B, L), dtype=bool)
    pitch_target = jax.random.uniform(ks[1], (B, L), dtype=jnp.float32)
    energy_target = jax.random.uniform(ks[2], (B, L), dtype=jnp.float32)
    duration_target = jax.random.randint(ks[3], (B, L), 0, 7)
    pitch_bins = jnp.linspace(0.0, 1.0, NBINS - 1)
    energy_bins = jnp.linspace(0.0, 1.0, NBINS - 1)
    pitch_emb = (jax.random.normal(ks[4], (NBINS, D)) * 0.02).astype(jnp.float32)
    energy_emb = (jax.random.normal(ks[5], (NBINS, D)) * 0.02).astype(jnp.float32)
    dp = _pred_params(ks[6], D, FILT, KS)
    pp = _pred_params(ks[7], D, FILT, KS)
    ep = _pred_params(ks[8], D, FILT, KS)
    return dict(x=x, src_mask=src_mask, pitch_target=pitch_target,
                energy_target=energy_target, duration_target=duration_target,
                max_len=MAXLEN, pitch_bins=pitch_bins, energy_bins=energy_bins,
                pitch_emb=pitch_emb, energy_emb=energy_emb, dp=dp, pp=pp, ep=ep)

def reference(x, src_mask, pitch_target, energy_target, duration_target, max_len,
              pitch_bins, energy_bins, pitch_emb, energy_emb, dp, pp, ep):
    # training path of VarianceAdaptor.forward: targets provided, phoneme-level
    log_duration_prediction = _variance_predictor(x, src_mask, dp)
    pitch_prediction = _variance_predictor(x, src_mask, pp)
    pitch_embedding = pitch_emb[jnp.searchsorted(pitch_bins, pitch_target, side='left')]
    x = x + pitch_embedding
    energy_prediction = _variance_predictor(x, src_mask, ep)
    energy_embedding = energy_emb[jnp.searchsorted(energy_bins, energy_target, side='left')]
    x = x + energy_embedding
    out, mel_len, mel_mask = _length_regulate(x, duration_target, max_len)
    return (out, pitch_prediction, energy_prediction, log_duration_prediction,
            duration_target, mel_len, mel_mask)

if __name__ == "__main__":
    import jax
    _d = setup_inputs()
    print(jax.jit(kernel)(*tuple(_d.values())))

</pallas_src>

<mosaic_0001>
#map = affine_map<(d0, d1) -> (0, 0)>
#map1 = affine_map<(d0, d1) -> (0)>
module attributes {stable_mosaic.version = 14 : i64} {
  func.func @k(%arg0: i32, %arg1: i32, %arg2: memref<8208x256xf32, #tpu.memory_space<hbm>>, %arg3: memref<32768xi32, #tpu.memory_space<hbm>>, %arg4: memref<32768x256xf32, #tpu.memory_space<hbm>>, %arg5: memref<1024xi32, #tpu.memory_space<vmem>>, %arg6: memref<128x256xf32, #tpu.memory_space<vmem>>, %arg7: memref<128x256xf32, #tpu.memory_space<vmem>>, %arg8: memref<128x256xf32, #tpu.memory_space<vmem>>, %arg9: memref<!tpu.dma_semaphore, #tpu.memory_space<semaphore_mem>>, %arg10: memref<!tpu.dma_semaphore, #tpu.memory_space<semaphore_mem>>, %arg11: memref<!tpu.dma_semaphore, #tpu.memory_space<semaphore_mem>>, %arg12: memref<!tpu.dma_semaphore, #tpu.memory_space<semaphore_mem>>, %arg13: memref<!tpu.dma_semaphore, #tpu.memory_space<semaphore_mem>>, %arg14: memref<!tpu.dma_semaphore, #tpu.memory_space<semaphore_mem>>) attributes {dimension_semantics = [#tpu.dimension_semantics<core_parallel>, #tpu.dimension_semantics<subcore_parallel>], iteration_bounds = array<i64: 2, 16>, scalar_prefetch = 0 : i64, scratch_operands = 10 : i64, tpu.core_type = #tpu.core_type<sc_vector_subcore>, window_params = [{transform_indices = #map}, {transform_indices = #map1}, {transform_indices = #map}]} {
    %mul3A = arith.constant 2 : i32
    %mul3A_0 = arith.muli %arg1, %mul3A : i32
    %add3A = arith.addi %mul3A_0, %arg0 : i32
    %mul3A_1 = arith.constant 8 : i32
    %mul3A_2 = arith.muli %add3A, %mul3A_1 : i32
    %mul3A_3 = arith.constant 128 : i32
    %mul3A_4 = arith.muli %mul3A_2, %mul3A_3 : i32
    "tpu.region"() ({
      %run_scoped3A = tpu.sem_alloc : memref<!tpu.dma_semaphore, #tpu.memory_space<semaphore_mem>>
      %dma_start3A_163 = arith.constant 0 : i32
      %dma_start3A_164 = tpu.memref_slice %arg5[%dma_start3A_163] : memref<1024xi32, #tpu.memory_space<vmem>> -> memref<1024xi32, #tpu.memory_space<vmem>>
      %dma_start3A_165 = tpu.memref_slice %arg3[%mul3A_4] : memref<32768xi32, #tpu.memory_space<hbm>> -> memref<1024xi32, #tpu.memory_space<hbm>>
      %dma_start3A_166 = arith.constant 0 : i32
      %dma_start3A_167 = tpu.memref_slice %arg5[%dma_start3A_166] : memref<1024xi32, #tpu.memory_space<vmem>> -> memref<1024xi32, #tpu.memory_space<vmem>>
      %dma_start3A_168 = tpu.memref_slice %arg3[%mul3A_4] : memref<32768xi32, #tpu.memory_space<hbm>> -> memref<1024xi32, #tpu.memory_space<hbm>>
      tpu.enqueue_dma source(%dma_start3A_168 : memref<1024xi32, #tpu.memory_space<hbm>>) target(%dma_start3A_167 : memref<1024xi32, #tpu.memory_space<vmem>>) target_semaphore(%run_scoped3A : memref<!tpu.dma_semaphore, #tpu.memory_space<semaphore_mem>>)
      %dma_wait3A_169 = arith.constant 0 : i32
      %dma_wait3A_170 = tpu.memref_slice %arg5[%dma_wait3A_169] : memref<1024xi32, #tpu.memory_space<vmem>> -> memref<1024xi32, #tpu.memory_space<vmem>>
      %dma_wait3A_171 = tpu.memref_slice %arg3[%mul3A_4] : memref<32768xi32, #tpu.memory_space<hbm>> -> memref<1024xi32, #tpu.memory_space<hbm>>
      %dma_wait3A_172 = arith.constant 0 : i32
      %dma_wait3A_173 = tpu.memref_slice %arg5[%dma_wait3A_172] : memref<1024xi32, #tpu.memory_space<vmem>> -> memref<1024xi32, #tpu.memory_space<vmem>>
      %dma_wait3A_174 = tpu.memref_slice %arg3[%mul3A_4] : memref<32768xi32, #tpu.memory_space<hbm>> -> memref<1024xi32, #tpu.memory_space<hbm>>
      tpu.wait_dma2 semaphore(%run_scoped3A : memref<!tpu.dma_semaphore, #tpu.memory_space<semaphore_mem>>) src(%dma_wait3A_174 : memref<1024xi32, #tpu.memory_space<hbm>>) dst(%dma_wait3A_173 : memref<1024xi32, #tpu.memory_space<vmem>>)
      tpu.yield
    }) : () -> ()
    %dma_start3A = arith.constant 0 : i32
    %dma_start3A_5 = tpu.memref_slice %arg5[%dma_start3A] : memref<1024xi32, #tpu.memory_space<vmem>> -> memref<128xi32, #tpu.memory_space<vmem>>
    %dma_start3A_6 = arith.constant 0 : i32
    %dma_start3A_7 = arith.constant 0 : i32
    %dma_start3A_8 = tpu.memref_slice %arg2[%dma_start3A_6, %dma_start3A_7] : memref<8208x256xf32, #tpu.memory_space<hbm>> -> memref<8208x256xf32, #tpu.memory_space<hbm>>
    tpu.enqueue_indirect_dma source(%dma_start3A_8 : memref<8208x256xf32, #tpu.memory_space<hbm>>) target(%arg6 : memref<128x256xf32, #tpu.memory_space<vmem>>) offsets(%dma_start3A_5 : memref<128xi32, #tpu.memory_space<vmem>>) semaphore(%arg9 : memref<!tpu.dma_semaphore, #tpu.memory_space<semaphore_mem>>)
    %dma_start3A_9 = arith.constant 128 : i32
    %dma_start3A_10 = tpu.memref_slice %arg5[%dma_start3A_9] : memref<1024xi32, #tpu.memory_space<vmem>> -> memref<128xi32, #tpu.memory_space<vmem>>
    %dma_start3A_11 = arith.constant 0 : i32
    %dma_start3A_12 = arith.constant 0 : i32
    %dma_start3A_13 = tpu.memref_slice %arg2[%dma_start3A_11, %dma_start3A_12] : memref<8208x256xf32, #tpu.memory_space<hbm>> -> memref<8208x256xf32, #tpu.memory_space<hbm>>
    tpu.enqueue_indirect_dma source(%dma_start3A_13 : memref<8208x256xf32, #tpu.memory_space<hbm>>) target(%arg7 : memref<128x256xf32, #tpu.memory_space<vmem>>) offsets(%dma_start3A_10 : memref<128xi32, #tpu.memory_space<vmem>>) semaphore(%arg10 : memref<!tpu.dma_semaphore, #tpu.memory_space<semaphore_mem>>)
    %dma_start3A_14 = arith.constant 256 : i32
    %dma_start3A_15 = tpu.memref_slice %arg5[%dma_start3A_14] : memref<1024xi32, #tpu.memory_space<vmem>> -> memref<128xi32, #tpu.memory_space<vmem>>
    %dma_start3A_16 = arith.constant 0 : i32
    %dma_start3A_17 = arith.constant 0 : i32
    %dma_start3A_18 = tpu.memref_slice %arg2[%dma_start3A_16, %dma_start3A_17] : memref<8208x256xf32, #tpu.memory_space<hbm>> -> memref<8208x256xf32, #tpu.memory_space<hbm>>
    tpu.enqueue_indirect_dma source(%dma_start3A_18 : memref<8208x256xf32, #tpu.memory_space<hbm>>) target(%arg8 : memref<128x256xf32, #tpu.memory_space<vmem>>) offsets(%dma_start3A_15 : memref<128xi32, #tpu.memory_space<vmem>>) semaphore(%arg11 : memref<!tpu.dma_semaphore, #tpu.memory_space<semaphore_mem>>)
    %dma_wait3A = arith.constant 0 : i32
    %dma_wait3A_19 = tpu.memref_slice %arg5[%dma_wait3A] : memref<1024xi32, #tpu.memory_space<vmem>> -> memref<128xi32, #tpu.memory_space<vmem>>
    %dma_wait3A_20 = arith.constant 0 : i32
    %dma_wait3A_21 = arith.constant 0 : i32
    %dma_wait3A_22 = tpu.memref_slice %arg2[%dma_wait3A_20, %dma_wait3A_21] : memref<8208x256xf32, #tpu.memory_space<hbm>> -> memref<8208x256xf32, #tpu.memory_space<hbm>>
    tpu.wait_indirect_dma semaphore(%arg9 : memref<!tpu.dma_semaphore, #tpu.memory_space<semaphore_mem>>) src(%dma_wait3A_22 : memref<8208x256xf32, #tpu.memory_space<hbm>>) dst(%arg6 : memref<128x256xf32, #tpu.memory_space<vmem>>)
    %add3A_23 = arith.constant 0 : i32
    %add3A_24 = arith.addi %mul3A_4, %add3A_23 : i32
    %dma_start3A_25 = arith.constant 0 : i32
    %dma_start3A_26 = tpu.memref_slice %arg4[%add3A_24, %dma_start3A_25] : memref<32768x256xf32, #tpu.memory_space<hbm>> -> memref<128x256xf32, #tpu.memory_space<hbm>>
    %dma_start3A_27 = arith.constant 0 : i32
    %dma_start3A_28 = tpu.memref_slice %arg4[%add3A_24, %dma_start3A_27] : memref<32768x256xf32, #tpu.memory_space<hbm>> -> memref<128x256xf32, #tpu.memory_space<hbm>>
    tpu.enqueue_dma source(%arg6 : memref<128x256xf32, #tpu.memory_space<vmem>>) target(%dma_start3A_28 : memref<128x256xf32, #tpu.memory_space<hbm>>) target_semaphore(%arg12 : memref<!tpu.dma_semaphore, #tpu.memory_space<semaphore_mem>>)
    %dma_wait3A_29 = arith.constant 0 : i32
    %dma_wait3A_30 = tpu.memref_slice %arg4[%add3A_24, %dma_wait3A_29] : memref<32768x256xf32, #tpu.memory_space<hbm>> -> memref<128x256xf32, #tpu.memory_space<hbm>>
    %dma_wait3A_31 = arith.constant 0 : i32
    %dma_wait3A_32 = tpu.memref_slice %arg4[%add3A_24, %dma_wait3A_31] : memref<32768x256xf32, #tpu.memory_space<hbm>> -> memref<128x256xf32, #tpu.memory_space<hbm>>
    tpu.wait_dma2 semaphore(%arg12 : memref<!tpu.dma_semaphore, #tpu.memory_space<semaphore_mem>>) src(%arg6 : memref<128x256xf32, #tpu.memory_space<vmem>>) dst(%dma_wait3A_32 : memref<128x256xf32, #tpu.memory_space<hbm>>)
    %dma_start3A_33 = arith.constant 384 : i32
    %dma_start3A_34 = tpu.memref_slice %arg5[%dma_start3A_33] : memref<1024xi32, #tpu.memory_space<vmem>> -> memref<128xi32, #tpu.memory_space<vmem>>
    %dma_start3A_35 = arith.constant 0 : i32
    %dma_start3A_36 = arith.constant 0 : i32
    %dma_start3A_37 = tpu.memref_slice %arg2[%dma_start3A_35, %dma_start3A_36] : memref<8208x256xf32, #tpu.memory_space<hbm>> -> memref<8208x256xf32, #tpu.memory_space<hbm>>
    tpu.enqueue_indirect_dma source(%dma_start3A_37 : memref<8208x256xf32, #tpu.memory_space<hbm>>) target(%arg6 : memref<128x256xf32, #tpu.memory_space<vmem>>) offsets(%dma_start3A_34 : memref<128xi32, #tpu.memory_space<vmem>>) semaphore(%arg9 : memref<!tpu.dma_semaphore, #tpu.memory_space<semaphore_mem>>)
    %dma_wait3A_38 = arith.constant 128 : i32
    %dma_wait3A_39 = tpu.memref_slice %arg5[%dma_wait3A_38] : memref<1024xi32, #tpu.memory_space<vmem>> -> memref<128xi32, #tpu.memory_space<vmem>>
    %dma_wait3A_40 = arith.constant 0 : i32
    %dma_wait3A_41 = arith.constant 0 : i32
    %dma_wait3A_42 = tpu.memref_slice %arg2[%dma_wait3A_40, %dma_wait3A_41] : memref<8208x256xf32, #tpu.memory_space<hbm>> -> memref<8208x256xf32, #tpu.memory_space<hbm>>
    tpu.wait_indirect_dma semaphore(%arg10 : memref<!tpu.dma_semaphore, #tpu.memory_space<semaphore_mem>>) src(%dma_wait3A_42 : memref<8208x256xf32, #tpu.memory_space<hbm>>) dst(%arg7 : memref<128x256xf32, #tpu.memory_space<vmem>>)
    %add3A_43 = arith.constant 128 : i32
    %add3A_44 = arith.addi %mul3A_4, %add3A_43 : i32
    %dma_start3A_45 = arith.constant 0 : i32
    %dma_start3A_46 = tpu.memref_slice %arg4[%add3A_44, %dma_start3A_45] : memref<32768x256xf32, #tpu.memory_space<hbm>> -> memref<128x256xf32, #tpu.memory_space<hbm>>
    %dma_start3A_47 = arith.constant 0 : i32
    %dma_start3A_48 = tpu.memref_slice %arg4[%add3A_44, %dma_start3A_47] : memref<32768x256xf32, #tpu.memory_space<hbm>> -> memref<128x256xf32, #tpu.memory_space<hbm>>
    tpu.enqueue_dma source(%arg7 : memref<128x256xf32, #tpu.memory_space<vmem>>) target(%dma_start3A_48 : memref<128x256xf32, #tpu.memory_space<hbm>>) target_semaphore(%arg13 : memref<!tpu.dma_semaphore, #tpu.memory_space<semaphore_mem>>)
    %dma_wait3A_49 = arith.constant 0 : i32
    %dma_wait3A_50 = tpu.memref_slice %arg4[%add3A_44, %dma_wait3A_49] : memref<32768x256xf32, #tpu.memory_space<hbm>> -> memref<128x256xf32, #tpu.memory_space<hbm>>
    %dma_wait3A_51 = arith.constant 0 : i32
    %dma_wait3A_52 = tpu.memref_slice %arg4[%add3A_44, %dma_wait3A_51] : memref<32768x256xf32, #tpu.memory_space<hbm>> -> memref<128x256xf32, #tpu.memory_space<hbm>>
    tpu.wait_dma2 semaphore(%arg13 : memref<!tpu.dma_semaphore, #tpu.memory_space<semaphore_mem>>) src(%arg7 : memref<128x256xf32, #tpu.memory_space<vmem>>) dst(%dma_wait3A_52 : memref<128x256xf32, #tpu.memory_space<hbm>>)
    %dma_start3A_53 = arith.constant 512 : i32
    %dma_start3A_54 = tpu.memref_slice %arg5[%dma_start3A_53] : memref<1024xi32, #tpu.memory_space<vmem>> -> memref<128xi32, #tpu.memory_space<vmem>>
    %dma_start3A_55 = arith.constant 0 : i32
    %dma_start3A_56 = arith.constant 0 : i32
    %dma_start3A_57 = tpu.memref_slice %arg2[%dma_start3A_55, %dma_start3A_56] : memref<8208x256xf32, #tpu.memory_space<hbm>> -> memref<8208x256xf32, #tpu.memory_space<hbm>>
    tpu.enqueue_indirect_dma source(%dma_start3A_57 : memref<8208x256xf32, #tpu.memory_space<hbm>>) target(%arg7 : memref<128x256xf32, #tpu.memory_space<vmem>>) offsets(%dma_start3A_54 : memref<128xi32, #tpu.memory_space<vmem>>) semaphore(%arg10 : memref<!tpu.dma_semaphore, #tpu.memory_space<semaphore_mem>>)
    %dma_wait3A_58 = arith.constant 256 : i32
    %dma_wait3A_59 = tpu.memref_slice %arg5[%dma_wait3A_58] : memref<1024xi32, #tpu.memory_space<vmem>> -> memref<128xi32, #tpu.memory_space<vmem>>
    %dma_wait3A_60 = arith.constant 0 : i32
    %dma_wait3A_61 = arith.constant 0 : i32
    %dma_wait3A_62 = tpu.memref_slice %arg2[%dma_wait3A_60, %dma_wait3A_61] : memref<8208x256xf32, #tpu.memory_space<hbm>> -> memref<8208x256xf32, #tpu.memory_space<hbm>>
    tpu.wait_indirect_dma semaphore(%arg11 : memref<!tpu.dma_semaphore, #tpu.memory_space<semaphore_mem>>) src(%dma_wait3A_62 : memref<8208x256xf32, #tpu.memory_space<hbm>>) dst(%arg8 : memref<128x256xf32, #tpu.memory_space<vmem>>)
    %add3A_63 = arith.constant 256 : i32
    %add3A_64 = arith.addi %mul3A_4, %add3A_63 : i32
    %dma_start3A_65 = arith.constant 0 : i32
    %dma_start3A_66 = tpu.memref_slice %arg4[%add3A_64, %dma_start3A_65] : memref<32768x256xf32, #tpu.memory_space<hbm>> -> memref<128x256xf32, #tpu.memory_space<hbm>>
    %dma_start3A_67 = arith.constant 0 : i32
    %dma_start3A_68 = tpu.memref_slice %arg4[%add3A_64, %dma_start3A_67] : memref<32768x256xf32, #tpu.memory_space<hbm>> -> memref<128x256xf32, #tpu.memory_space<hbm>>
    tpu.enqueue_dma source(%arg8 : memref<128x256xf32, #tpu.memory_space<vmem>>) target(%dma_start3A_68 : memref<128x256xf32, #tpu.memory_space<hbm>>) target_semaphore(%arg14 : memref<!tpu.dma_semaphore, #tpu.memory_space<semaphore_mem>>)
    %dma_wait3A_69 = arith.constant 0 : i32
    %dma_wait3A_70 = tpu.memref_slice %arg4[%add3A_64, %dma_wait3A_69] : memref<32768x256xf32, #tpu.memory_space<hbm>> -> memref<128x256xf32, #tpu.memory_space<hbm>>
    %dma_wait3A_71 = arith.constant 0 : i32
    %dma_wait3A_72 = tpu.memref_slice %arg4[%add3A_64, %dma_wait3A_71] : memref<32768x256xf32, #tpu.memory_space<hbm>> -> memref<128x256xf32, #tpu.memory_space<hbm>>
    tpu.wait_dma2 semaphore(%arg14 : memref<!tpu.dma_semaphore, #tpu.memory_space<semaphore_mem>>) src(%arg8 : memref<128x256xf32, #tpu.memory_space<vmem>>) dst(%dma_wait3A_72 : memref<128x256xf32, #tpu.memory_space<hbm>>)
    %dma_start3A_73 = arith.constant 640 : i32
    %dma_start3A_74 = tpu.memref_slice %arg5[%dma_start3A_73] : memref<1024xi32, #tpu.memory_space<vmem>> -> memref<128xi32, #tpu.memory_space<vmem>>
    %dma_start3A_75 = arith.constant 0 : i32
    %dma_start3A_76 = arith.constant 0 : i32
    %dma_start3A_77 = tpu.memref_slice %arg2[%dma_start3A_75, %dma_start3A_76] : memref<8208x256xf32, #tpu.memory_space<hbm>> -> memref<8208x256xf32, #tpu.memory_space<hbm>>
    tpu.enqueue_indirect_dma source(%dma_start3A_77 : memref<8208x256xf32, #tpu.memory_space<hbm>>) target(%arg8 : memref<128x256xf32, #tpu.memory_space<vmem>>) offsets(%dma_start3A_74 : memref<128xi32, #tpu.memory_space<vmem>>) semaphore(%arg11 : memref<!tpu.dma_semaphore, #tpu.memory_space<semaphore_mem>>)
    %dma_wait3A_78 = arith.constant 384 : i32
    %dma_wait3A_79 = tpu.memref_slice %arg5[%dma_wait3A_78] : memref<1024xi32, #tpu.memory_space<vmem>> -> memref<128xi32, #tpu.memory_space<vmem>>
    %dma_wait3A_80 = arith.constant 0 : i32
    %dma_wait3A_81 = arith.constant 0 : i32
    %dma_wait3A_82 = tpu.memref_slice %arg2[%dma_wait3A_80, %dma_wait3A_81] : memref<8208x256xf32, #tpu.memory_space<hbm>> -> memref<8208x256xf32, #tpu.memory_space<hbm>>
    tpu.wait_indirect_dma semaphore(%arg9 : memref<!tpu.dma_semaphore, #tpu.memory_space<semaphore_mem>>) src(%dma_wait3A_82 : memref<8208x256xf32, #tpu.memory_space<hbm>>) dst(%arg6 : memref<128x256xf32, #tpu.memory_space<vmem>>)
    %add3A_83 = arith.constant 384 : i32
    %add3A_84 = arith.addi %mul3A_4, %add3A_83 : i32
    %dma_start3A_85 = arith.constant 0 : i32
    %dma_start3A_86 = tpu.memref_slice %arg4[%add3A_84, %dma_start3A_85] : memref<32768x256xf32, #tpu.memory_space<hbm>> -> memref<128x256xf32, #tpu.memory_space<hbm>>
    %dma_start3A_87 = arith.constant 0 : i32
    %dma_start3A_88 = tpu.memref_slice %arg4[%add3A_84, %dma_start3A_87] : memref<32768x256xf32, #tpu.memory_space<hbm>> -> memref<128x256xf32, #tpu.memory_space<hbm>>
    tpu.enqueue_dma source(%arg6 : memref<128x256xf32, #tpu.memory_space<vmem>>) target(%dma_start3A_88 : memref<128x256xf32, #tpu.memory_space<hbm>>) target_semaphore(%arg12 : memref<!tpu.dma_semaphore, #tpu.memory_space<semaphore_mem>>)
    %dma_wait3A_89 = arith.constant 0 : i32
    %dma_wait3A_90 = tpu.memref_slice %arg4[%add3A_84, %dma_wait3A_89] : memref<32768x256xf32, #tpu.memory_space<hbm>> -> memref<128x256xf32, #tpu.memory_space<hbm>>
    %dma_wait3A_91 = arith.constant 0 : i32
    %dma_wait3A_92 = tpu.memref_slice %arg4[%add3A_84, %dma_wait3A_91] : memref<32768x256xf32, #tpu.memory_space<hbm>> -> memref<128x256xf32, #tpu.memory_space<hbm>>
    tpu.wait_dma2 semaphore(%arg12 : memref<!tpu.dma_semaphore, #tpu.memory_space<semaphore_mem>>) src(%arg6 : memref<128x256xf32, #tpu.memory_space<vmem>>) dst(%dma_wait3A_92 : memref<128x256xf32, #tpu.memory_space<hbm>>)
    %dma_start3A_93 = arith.constant 768 : i32
    %dma_start3A_94 = tpu.memref_slice %arg5[%dma_start3A_93] : memref<1024xi32, #tpu.memory_space<vmem>> -> memref<128xi32, #tpu.memory_space<vmem>>
    %dma_start3A_95 = arith.constant 0 : i32
    %dma_start3A_96 = arith.constant 0 : i32
    %dma_start3A_97 = tpu.memref_slice %arg2[%dma_start3A_95, %dma_start3A_96] : memref<8208x256xf32, #tpu.memory_space<hbm>> -> memref<8208x256xf32, #tpu.memory_space<hbm>>
    tpu.enqueue_indirect_dma source(%dma_start3A_97 : memref<8208x256xf32, #tpu.memory_space<hbm>>) target(%arg6 : memref<128x256xf32, #tpu.memory_space<vmem>>) offsets(%dma_start3A_94 : memref<128xi32, #tpu.memory_space<vmem>>) semaphore(%arg9 : memref<!tpu.dma_semaphore, #tpu.memory_space<semaphore_mem>>)
    %dma_wait3A_98 = arith.constant 512 : i32
    %dma_wait3A_99 = tpu.memref_slice %arg5[%dma_wait3A_98] : memref<1024xi32, #tpu.memory_space<vmem>> -> memref<128xi32, #tpu.memory_space<vmem>>
    %dma_wait3A_100 = arith.constant 0 : i32
    %dma_wait3A_101 = arith.constant 0 : i32
    %dma_wait3A_102 = tpu.memref_slice %arg2[%dma_wait3A_100, %dma_wait3A_101] : memref<8208x256xf32, #tpu.memory_space<hbm>> -> memref<8208x256xf32, #tpu.memory_space<hbm>>
    tpu.wait_indirect_dma semaphore(%arg10 : memref<!tpu.dma_semaphore, #tpu.memory_space<semaphore_mem>>) src(%dma_wait3A_102 : memref<8208x256xf32, #tpu.memory_space<hbm>>) dst(%arg7 : memref<128x256xf32, #tpu.memory_space<vmem>>)
    %add3A_103 = arith.constant 512 : i32
    %add3A_104 = arith.addi %mul3A_4, %add3A_103 : i32
    %dma_start3A_105 = arith.constant 0 : i32
    %dma_start3A_106 = tpu.memref_slice %arg4[%add3A_104, %dma_start3A_105] : memref<32768x256xf32, #tpu.memory_space<hbm>> -> memref<128x256xf32, #tpu.memory_space<hbm>>
    %dma_start3A_107 = arith.constant 0 : i32
    %dma_start3A_108 = tpu.memref_slice %arg4[%add3A_104, %dma_start3A_107] : memref<32768x256xf32, #tpu.memory_space<hbm>> -> memref<128x256xf32, #tpu.memory_space<hbm>>
    tpu.enqueue_dma source(%arg7 : memref<128x256xf32, #tpu.memory_space<vmem>>) target(%dma_start3A_108 : memref<128x256xf32, #tpu.memory_space<hbm>>) target_semaphore(%arg13 : memref<!tpu.dma_semaphore, #tpu.memory_space<semaphore_mem>>)
    %dma_wait3A_109 = arith.constant 0 : i32
    %dma_wait3A_110 = tpu.memref_slice %arg4[%add3A_104, %dma_wait3A_109] : memref<32768x256xf32, #tpu.memory_space<hbm>> -> memref<128x256xf32, #tpu.memory_space<hbm>>
    %dma_wait3A_111 = arith.constant 0 : i32
    %dma_wait3A_112 = tpu.memref_slice %arg4[%add3A_104, %dma_wait3A_111] : memref<32768x256xf32, #tpu.memory_space<hbm>> -> memref<128x256xf32, #tpu.memory_space<hbm>>
    tpu.wait_dma2 semaphore(%arg13 : memref<!tpu.dma_semaphore, #tpu.memory_space<semaphore_mem>>) src(%arg7 : memref<128x256xf32, #tpu.memory_space<vmem>>) dst(%dma_wait3A_112 : memref<128x256xf32, #tpu.memory_space<hbm>>)
    %dma_start3A_113 = arith.constant 896 : i32
    %dma_start3A_114 = tpu.memref_slice %arg5[%dma_start3A_113] : memref<1024xi32, #tpu.memory_space<vmem>> -> memref<128xi32, #tpu.memory_space<vmem>>
    %dma_start3A_115 = arith.constant 0 : i32
    %dma_start3A_116 = arith.constant 0 : i32
    %dma_start3A_117 = tpu.memref_slice %arg2[%dma_start3A_115, %dma_start3A_116] : memref<8208x256xf32, #tpu.memory_space<hbm>> -> memref<8208x256xf32, #tpu.memory_space<hbm>>
    tpu.enqueue_indirect_dma source(%dma_start3A_117 : memref<8208x256xf32, #tpu.memory_space<hbm>>) target(%arg7 : memref<128x256xf32, #tpu.memory_space<vmem>>) offsets(%dma_start3A_114 : memref<128xi32, #tpu.memory_space<vmem>>) semaphore(%arg10 : memref<!tpu.dma_semaphore, #tpu.memory_space<semaphore_mem>>)
    %dma_wait3A_118 = arith.constant 640 : i32
    %dma_wait3A_119 = tpu.memref_slice %arg5[%dma_wait3A_118] : memref<1024xi32, #tpu.memory_space<vmem>> -> memref<128xi32, #tpu.memory_space<vmem>>
    %dma_wait3A_120 = arith.constant 0 : i32
    %dma_wait3A_121 = arith.constant 0 : i32
    %dma_wait3A_122 = tpu.memref_slice %arg2[%dma_wait3A_120, %dma_wait3A_121] : memref<8208x256xf32, #tpu.memory_space<hbm>> -> memref<8208x256xf32, #tpu.memory_space<hbm>>
    tpu.wait_indirect_dma semaphore(%arg11 : memref<!tpu.dma_semaphore, #tpu.memory_space<semaphore_mem>>) src(%dma_wait3A_122 : memref<8208x256xf32, #tpu.memory_space<hbm>>) dst(%arg8 : memref<128x256xf32, #tpu.memory_space<vmem>>)
    %add3A_123 = arith.constant 640 : i32
    %add3A_124 = arith.addi %mul3A_4, %add3A_123 : i32
    %dma_start3A_125 = arith.constant 0 : i32
    %dma_start3A_126 = tpu.memref_slice %arg4[%add3A_124, %dma_start3A_125] : memref<32768x256xf32, #tpu.memory_space<hbm>> -> memref<128x256xf32, #tpu.memory_space<hbm>>
    %dma_start3A_127 = arith.constant 0 : i32
    %dma_start3A_128 = tpu.memref_slice %arg4[%add3A_124, %dma_start3A_127] : memref<32768x256xf32, #tpu.memory_space<hbm>> -> memref<128x256xf32, #tpu.memory_space<hbm>>
    tpu.enqueue_dma source(%arg8 : memref<128x256xf32, #tpu.memory_space<vmem>>) target(%dma_start3A_128 : memref<128x256xf32, #tpu.memory_space<hbm>>) target_semaphore(%arg14 : memref<!tpu.dma_semaphore, #tpu.memory_space<semaphore_mem>>)
    %dma_wait3A_129 = arith.constant 768 : i32
    %dma_wait3A_130 = tpu.memref_slice %arg5[%dma_wait3A_129] : memref<1024xi32, #tpu.memory_space<vmem>> -> memref<128xi32, #tpu.memory_space<vmem>>
    %dma_wait3A_131 = arith.constant 0 : i32
    %dma_wait3A_132 = arith.constant 0 : i32
    %dma_wait3A_133 = tpu.memref_slice %arg2[%dma_wait3A_131, %dma_wait3A_132] : memref<8208x256xf32, #tpu.memory_space<hbm>> -> memref<8208x256xf32, #tpu.memory_space<hbm>>
    tpu.wait_indirect_dma semaphore(%arg9 : memref<!tpu.dma_semaphore, #tpu.memory_space<semaphore_mem>>) src(%dma_wait3A_133 : memref<8208x256xf32, #tpu.memory_space<hbm>>) dst(%arg6 : memref<128x256xf32, #tpu.memory_space<vmem>>)
    %add3A_134 = arith.constant 768 : i32
    %add3A_135 = arith.addi %mul3A_4, %add3A_134 : i32
    %dma_start3A_136 = arith.constant 0 : i32
    %dma_start3A_137 = tpu.memref_slice %arg4[%add3A_135, %dma_start3A_136] : memref<32768x256xf32, #tpu.memory_space<hbm>> -> memref<128x256xf32, #tpu.memory_space<hbm>>
    %dma_start3A_138 = arith.constant 0 : i32
    %dma_start3A_139 = tpu.memref_slice %arg4[%add3A_135, %dma_start3A_138] : memref<32768x256xf32, #tpu.memory_space<hbm>> -> memref<128x256xf32, #tpu.memory_space<hbm>>
    tpu.enqueue_dma source(%arg6 : memref<128x256xf32, #tpu.memory_space<vmem>>) target(%dma_start3A_139 : memref<128x256xf32, #tpu.memory_space<hbm>>) target_semaphore(%arg12 : memref<!tpu.dma_semaphore, #tpu.memory_space<semaphore_mem>>)
    %dma_wait3A_140 = arith.constant 896 : i32
    %dma_wait3A_141 = tpu.memref_slice %arg5[%dma_wait3A_140] : memref<1024xi32, #tpu.memory_space<vmem>> -> memref<128xi32, #tpu.memory_space<vmem>>
    %dma_wait3A_142 = arith.constant 0 : i32
    %dma_wait3A_143 = arith.constant 0 : i32
    %dma_wait3A_144 = tpu.memref_slice %arg2[%dma_wait3A_142, %dma_wait3A_143] : memref<8208x256xf32, #tpu.memory_space<hbm>> -> memref<8208x256xf32, #tpu.memory_space<hbm>>
    tpu.wait_indirect_dma semaphore(%arg10 : memref<!tpu.dma_semaphore, #tpu.memory_space<semaphore_mem>>) src(%dma_wait3A_144 : memref<8208x256xf32, #tpu.memory_space<hbm>>) dst(%arg7 : memref<128x256xf32, #tpu.memory_space<vmem>>)
    %add3A_145 = arith.constant 896 : i32
    %add3A_146 = arith.addi %mul3A_4, %add3A_145 : i32
    %dma_start3A_147 = arith.constant 0 : i32
    %dma_start3A_148 = tpu.memref_slice %arg4[%add3A_146, %dma_start3A_147] : memref<32768x256xf32, #tpu.memory_space<hbm>> -> memref<128x256xf32, #tpu.memory_space<hbm>>
    %dma_start3A_149 = arith.constant 0 : i32
    %dma_start3A_150 = tpu.memref_slice %arg4[%add3A_146, %dma_start3A_149] : memref<32768x256xf32, #tpu.memory_space<hbm>> -> memref<128x256xf32, #tpu.memory_space<hbm>>
    tpu.enqueue_dma source(%arg7 : memref<128x256xf32, #tpu.memory_space<vmem>>) target(%dma_start3A_150 : memref<128x256xf32, #tpu.memory_space<hbm>>) target_semaphore(%arg13 : memref<!tpu.dma_semaphore, #tpu.memory_space<semaphore_mem>>)
    %dma_wait3A_151 = arith.constant 0 : i32
    %dma_wait3A_152 = tpu.memref_slice %arg4[%add3A_135, %dma_wait3A_151] : memref<32768x256xf32, #tpu.memory_space<hbm>> -> memref<128x256xf32, #tpu.memory_space<hbm>>
    %dma_wait3A_153 = arith.constant 0 : i32
    %dma_wait3A_154 = tpu.memref_slice %arg4[%add3A_135, %dma_wait3A_153] : memref<32768x256xf32, #tpu.memory_space<hbm>> -> memref<128x256xf32, #tpu.memory_space<hbm>>
    tpu.wait_dma2 semaphore(%arg12 : memref<!tpu.dma_semaphore, #tpu.memory_space<semaphore_mem>>) src(%arg6 : memref<128x256xf32, #tpu.memory_space<vmem>>) dst(%dma_wait3A_154 : memref<128x256xf32, #tpu.memory_space<hbm>>)
    %dma_wait3A_155 = arith.constant 0 : i32
    %dma_wait3A_156 = tpu.memref_slice %arg4[%add3A_146, %dma_wait3A_155] : memref<32768x256xf32, #tpu.memory_space<hbm>> -> memref<128x256xf32, #tpu.memory_space<hbm>>
    %dma_wait3A_157 = arith.constant 0 : i32
    %dma_wait3A_158 = tpu.memref_slice %arg4[%add3A_146, %dma_wait3A_157] : memref<32768x256xf32, #tpu.memory_space<hbm>> -> memref<128x256xf32, #tpu.memory_space<hbm>>
    tpu.wait_dma2 semaphore(%arg13 : memref<!tpu.dma_semaphore, #tpu.memory_space<semaphore_mem>>) src(%arg7 : memref<128x256xf32, #tpu.memory_space<vmem>>) dst(%dma_wait3A_158 : memref<128x256xf32, #tpu.memory_space<hbm>>)
    %dma_wait3A_159 = arith.constant 0 : i32
    %dma_wait3A_160 = tpu.memref_slice %arg4[%add3A_124, %dma_wait3A_159] : memref<32768x256xf32, #tpu.memory_space<hbm>> -> memref<128x256xf32, #tpu.memory_space<hbm>>
    %dma_wait3A_161 = arith.constant 0 : i32
    %dma_wait3A_162 = tpu.memref_slice %arg4[%add3A_124, %dma_wait3A_161] : memref<32768x256xf32, #tpu.memory_space<hbm>> -> memref<128x256xf32, #tpu.memory_space<hbm>>
    tpu.wait_dma2 semaphore(%arg14 : memref<!tpu.dma_semaphore, #tpu.memory_space<semaphore_mem>>) src(%arg8 : memref<128x256xf32, #tpu.memory_space<vmem>>) dst(%dma_wait3A_162 : memref<128x256xf32, #tpu.memory_space<hbm>>)
    return
  }
}

module attributes {stable_mosaic.version = 14 : i64} {
  func.func @_embed_body(%arg0: i32, %arg1: memref<1x512x256xf32, #tpu.memory_space<vmem>>, %arg2: memref<1x512x1xf32, #tpu.memory_space<vmem>>, %arg3: memref<1x512x1xf32, #tpu.memory_space<vmem>>, %arg4: memref<1x512x1xi32, #tpu.memory_space<vmem>>, %arg5: memref<1x256xf32, #tpu.memory_space<vmem>>, %arg6: memref<1x256xf32, #tpu.memory_space<vmem>>, %arg7: memref<256x256xf32, #tpu.memory_space<vmem>>, %arg8: memref<256x256xf32, #tpu.memory_space<vmem>>, %arg9: memref<1x513x256xf32, #tpu.memory_space<vmem>>, %arg10: memref<1x1x2048xi32, #tpu.memory_space<vmem>>, %arg11: memref<1x1x2048xi32, #tpu.memory_space<vmem>>) attributes {dimension_semantics = [#tpu.dimension_semantics<arbitrary>], iteration_bounds = array<i64: 16>, scalar_prefetch = 0 : i64, scratch_operands = 0 : i64, tpu.core_type = #tpu.core_type<tc>, window_params = [{transform_indices = @transform_0, window_bounds = array<i64: 1, 512, 256>}, {transform_indices = @transform_1, window_bounds = array<i64: 1, 512, 1>}, {transform_indices = @transform_2, window_bounds = array<i64: 1, 512, 1>}, {transform_indices = @transform_3, window_bounds = array<i64: 1, 512, 1>}, {pipeline_mode = #tpu.pipeline_mode<synchronous>, transform_indices = @transform_4, window_bounds = array<i64: 1, 256>}, {pipeline_mode = #tpu.pipeline_mode<synchronous>, transform_indices = @transform_5, window_bounds = array<i64: 1, 256>}, {pipeline_mode = #tpu.pipeline_mode<synchronous>, transform_indices = @transform_6, window_bounds = array<i64: 256, 256>}, {pipeline_mode = #tpu.pipeline_mode<synchronous>, transform_indices = @transform_7, window_bounds = array<i64: 256, 256>}, {transform_indices = @transform_8, window_bounds = array<i64: 1, 513, 256>}, {transform_indices = @transform_9, window_bounds = array<i64: 1, 1, 2048>}, {transform_indices = @transform_10, window_bounds = array<i64: 1, 1, 2048>}]} {
    %get3A = arith.constant 0 : index
    %get3A_0 = arith.constant 0 : index
    %get3A_1 = arith.constant 0 : index
    %get3A_2 = vector.load %arg1[%get3A, %get3A_0, %get3A_1] : memref<1x512x256xf32, #tpu.memory_space<vmem>>, vector<1x512x256xf32>
    %get3A_3 = vector.shape_cast %get3A_2 : vector<1x512x256xf32> to vector<512x256xf32>
    %iota3A = tpu.iota {dimensions = array<i32: 1>} : vector<1x256xi32>
    %get3A_4 = arith.constant 0 : index
    %get3A_5 = arith.constant 0 : index
    %get3A_6 = arith.constant 0 : index
    %get3A_7 = vector.load %arg2[%get3A_4, %get3A_5, %get3A_6] : memref<1x512x1xf32, #tpu.memory_space<vmem>>, vector<1x512x1xf32>
    %get3A_8 = vector.shape_cast %get3A_7 : vector<1x512x1xf32> to vector<512x1xf32>
    %get3A_9 = arith.constant 0 : index
    %get3A_10 = arith.constant 0 : index
    %get3A_11 = vector.load %arg5[%get3A_9, %get3A_10] : memref<1x256xf32, #tpu.memory_space<vmem>>, vector<1x256xf32>
    %get3A_12 = vector.shape_cast %get3A_11 : vector<1x256xf32> to vector<256xf32>
    %broadcast_in_dim3A = vector.shape_cast %get3A_12 : vector<256xf32> to vector<1x256xf32>
    %lt3A = vector.broadcast %broadcast_in_dim3A : vector<1x256xf32> to vector<512x256xf32>
    %lt3A_13 = vector.broadcast %get3A_8 : vector<512x1xf32> to vector<512x256xf32>
    %lt3A_14 = arith.cmpf olt, %lt3A, %lt3A_13 : vector<512x256xf32>
    %convert_element_type3A = arith.extui %lt3A_14 : vector<512x256xi1> to vector<512x256xi32>
    %reduce_sum3A = arith.constant dense<0> : vector<512xi32>
    %reduce_sum3A_15 = vector.multi_reduction <add>, %convert_element_type3A, %reduce_sum3A [1] : vector<512x256xi32> to vector<512xi32>
    %broadcast_in_dim3A_16 = vector.shape_cast %reduce_sum3A_15 : vector<512xi32> to vector<512x1xi32>
    %eq3A = vector.broadcast %broadcast_in_dim3A_16 : vector<512x1xi32> to vector<512x256xi32>
    %eq3A_17 = vector.broadcast %iota3A : vector<1x256xi32> to vector<512x256xi32>
    %eq3A_18 = arith.cmpi eq, %eq3A, %eq3A_17 : vector<512x256xi32>
    %convert_element_type3A_19 = arith.extui %eq3A_18 : vector<512x256xi1> to vector<512x256xi32>
    %convert_element_type3A_20 = arith.sitofp %convert_element_type3A_19 : vector<512x256xi32> to vector<512x256xf32>
    %get3A_21 = arith.constant 0 : index
    %get3A_22 = arith.constant 0 : index
    %get3A_23 = vector.load %arg7[%get3A_21, %get3A_22] : memref<256x256xf32, #tpu.memory_space<vmem>>, vector<256x256xf32>
    %dot_general3A = arith.constant dense<0.000000e+00> : vector<512x256xf32>
    %dot_general3A_24 = tpu.matmul %convert_element_type3A_20, %get3A_23, %dot_general3A {dimension_numbers = #tpu.dot_dimension_numbers<[1], [0], [0], [1], [0, 0, 1, 1], [], []>, transpose_lhs_hint = false} : vector<512x256xf32>, vector<256x256xf32>, vector<512x256xf32> -> vector<512x256xf32>
    %add3A = arith.addf %get3A_3, %dot_general3A_24 : vector<512x256xf32>
    %get3A_25 = arith.constant 0 : index
    %get3A_26 = arith.constant 0 : index
    %get3A_27 = arith.constant 0 : index
    %get3A_28 = vector.load %arg3[%get3A_25, %get3A_26, %get3A_27] : memref<1x512x1xf32, #tpu.memory_space<vmem>>, vector<1x512x1xf32>
    %get3A_29 = vector.shape_cast %get3A_28 : vector<1x512x1xf32> to vector<512x1xf32>
    %get3A_30 = arith.constant 0 : index
    %get3A_31 = arith.constant 0 : index
    %get3A_32 = vector.load %arg6[%get3A_30, %get3A_31] : memref<1x256xf32, #tpu.memory_space<vmem>>, vector<1x256xf32>
    %get3A_33 = vector.shape_cast %get3A_32 : vector<1x256xf32> to vector<256xf32>
    %broadcast_in_dim3A_34 = vector.shape_cast %get3A_33 : vector<256xf32> to vector<1x256xf32>
    %lt3A_35 = vector.broadcast %broadcast_in_dim3A_34 : vector<1x256xf32> to vector<512x256xf32>
    %lt3A_36 = vector.broadcast %get3A_29 : vector<512x1xf32> to vector<512x256xf32>
    %lt3A_37 = arith.cmpf olt, %lt3A_35, %lt3A_36 : vector<512x256xf32>
    %convert_element_type3A_38 = arith.extui %lt3A_37 : vector<512x256xi1> to vector<512x256xi32>
    %reduce_sum3A_39 = arith.constant dense<0> : vector<512xi32>
    %reduce_sum3A_40 = vector.multi_reduction <add>, %convert_element_type3A_38, %reduce_sum3A_39 [1] : vector<512x256xi32> to vector<512xi32>
    %broadcast_in_dim3A_41 = vector.shape_cast %reduce_sum3A_40 : vector<512xi32> to vector<512x1xi32>
    %eq3A_42 = vector.broadcast %broadcast_in_dim3A_41 : vector<512x1xi32> to vector<512x256xi32>
    %eq3A_43 = vector.broadcast %iota3A : vector<1x256xi32> to vector<512x256xi32>
    %eq3A_44 = arith.cmpi eq, %eq3A_42, %eq3A_43 : vector<512x256xi32>
    %convert_element_type3A_45 = arith.extui %eq3A_44 : vector<512x256xi1> to vector<512x256xi32>
    %convert_element_type3A_46 = arith.sitofp %convert_element_type3A_45 : vector<512x256xi32> to vector<512x256xf32>
    %get3A_47 = arith.constant 0 : index
    %get3A_48 = arith.constant 0 : index
    %get3A_49 = vector.load %arg8[%get3A_47, %get3A_48] : memref<256x256xf32, #tpu.memory_space<vmem>>, vector<256x256xf32>
    %dot_general3A_50 = arith.constant dense<0.000000e+00> : vector<512x256xf32>
    %dot_general3A_51 = tpu.matmul %convert_element_type3A_46, %get3A_49, %dot_general3A_50 {dimension_numbers = #tpu.dot_dimension_numbers<[1], [0], [0], [1], [0, 0, 1, 1], [], []>, transpose_lhs_hint = false} : vector<512x256xf32>, vector<256x256xf32>, vector<512x256xf32> -> vector<512x256xf32>
    %add3A_52 = arith.addf %add3A, %dot_general3A_51 : vector<512x256xf32>
    %swap3A = arith.constant 0 : index
    %swap3A_53 = arith.constant 0 : index
    %swap3A_54 = arith.constant 0 : index
    %swap3A_55 = vector.load %arg9[%swap3A, %swap3A_53, %swap3A_54] : memref<1x513x256xf32, #tpu.memory_space<vmem>>, vector<1x512x256xf32>
    %swap3A_56 = vector.shape_cast %swap3A_55 : vector<1x512x256xf32> to vector<512x256xf32>
    %swap3A_57 = vector.shape_cast %add3A_52 : vector<512x256xf32> to vector<1x512x256xf32>
    tpu.vector_store %arg9[%swap3A, %swap3A_53, %swap3A_54], %swap3A_57 {strides = array<i32>} : memref<1x513x256xf32, #tpu.memory_space<vmem>>, vector<1x512x256xf32>,
    %broadcast_in_dim3A_58 = arith.constant 0.000000e+00 : f32
    %broadcast_in_dim3A_59 = vector.broadcast %broadcast_in_dim3A_58 : f32 to vector<1x256xf32>
    %swap3A_60 = arith.constant 0 : index
    %swap3A_61 = arith.constant 512 : index
    %swap3A_62 = arith.constant 0 : index
    %swap3A_63 = vector.load %arg9[%swap3A_60, %swap3A_61, %swap3A_62] : memref<1x513x256xf32, #tpu.memory_space<vmem>>, vector<1x1x256xf32>
    %swap3A_64 = vector.shape_cast %swap3A_63 : vector<1x1x256xf32> to vector<1x256xf32>
    %swap3A_65 = vector.shape_cast %broadcast_in_dim3A_59 : vector<1x256xf32> to vector<1x1x256xf32>
    tpu.vector_store %arg9[%swap3A_60, %swap3A_61, %swap3A_62], %swap3A_65 {strides = array<i32>} : memref<1x513x256xf32, #tpu.memory_space<vmem>>, vector<1x1x256xf32>,
    %get3A_66 = arith.constant 0 : index
    %get3A_67 = arith.constant 0 : index
    %get3A_68 = arith.constant 0 : index
    %get3A_69 = vector.load %arg4[%get3A_66, %get3A_67, %get3A_68] : memref<1x512x1xi32, #tpu.memory_space<vmem>>, vector<1x512x1xi32>
    %get3A_70 = vector.shape_cast %get3A_69 : vector<1x512x1xi32> to vector<512x1xi32>
    %convert_element_type3A_71 = arith.sitofp %get3A_70 : vector<512x1xi32> to vector<512x1xf32>
    %iota3A_72 = tpu.iota {dimensions = array<i32: 0>} : vector<512x512xi32>
    %iota3A_73 = tpu.iota {dimensions = array<i32: 1>} : vector<512x512xi32>
    %le3A = arith.cmpi sle, %iota3A_73, %iota3A_72 : vector<512x512xi32>
    %convert_element_type3A_74 = arith.extui %le3A : vector<512x512xi1> to vector<512x512xi32>
    %convert_element_type3A_75 = arith.sitofp %convert_element_type3A_74 : vector<512x512xi32> to vector<512x512xf32>
    %dot_general3A_76 = arith.constant dense<0.000000e+00> : vector<512x1xf32>
    %dot_general3A_77 = tpu.matmul %convert_element_type3A_75, %convert_element_type3A_71, %dot_general3A_76 {dimension_numbers = #tpu.dot_dimension_numbers<[1], [0], [0], [1], [0, 0, 1, 1], [], []>, transpose_lhs_hint = false} : vector<512x512xf32>, vector<512x1xf32>, vector<512x1xf32> -> vector<512x1xf32>
    %iota3A_78 = tpu.iota {dimensions = array<i32: 1>} : vector<1x2048xi32>
    %convert_element_type3A_79 = arith.sitofp %iota3A_78 : vector<1x2048xi32> to vector<1x2048xf32>
    %le3A_80 = vector.broadcast %dot_general3A_77 : vector<512x1xf32> to vector<512x2048xf32>
    %le3A_81 = vector.broadcast %convert_element_type3A_79 : vector<1x2048xf32> to vector<512x2048xf32>
    %le3A_82 = arith.cmpf ole, %le3A_80, %le3A_81 : vector<512x2048xf32>
    %convert_element_type3A_83 = arith.extui %le3A_82 : vector<512x2048xi1> to vector<512x2048xi32>
    %reduce_sum3A_84 = arith.constant dense<0> : vector<2048xi32>
    %reduce_sum3A_85 = vector.multi_reduction <add>, %convert_element_type3A_83, %reduce_sum3A_84 [0] : vector<512x2048xi32> to vector<2048xi32>
    %broadcast_in_dim3A_86 = vector.shape_cast %reduce_sum3A_85 : vector<2048xi32> to vector<1x2048xi32>
    %min3A = arith.constant 511 : i32
    %min3A_87 = vector.broadcast %min3A : i32 to vector<1x2048xi32>
    %min3A_88 = arith.minsi %broadcast_in_dim3A_86, %min3A_87 : vector<1x2048xi32>
    %reduce_sum3A_89 = vector.shape_cast %convert_element_type3A_71 : vector<512x1xf32> to vector<1x512x1xf32>
    %reduce_sum3A_90 = arith.constant dense<0.000000e+00> : vector<1xf32>
    %reduce_sum3A_91 = vector.multi_reduction <add>, %reduce_sum3A_89, %reduce_sum3A_90 [1, 2] : vector<1x512x1xf32> to vector<1xf32>
    %reduce_sum3A_92 = vector.shape_cast %reduce_sum3A_91 : vector<1xf32> to vector<1x1x1xf32>
    %reduce_sum3A_93 = vector.extract %reduce_sum3A_92[0, 0, 0] : f32 from vector<1x1x1xf32>
    %min3A_94 = arith.constant 2.048000e+03 : f32
    %min3A_95 = arith.minimumf %reduce_sum3A_93, %min3A_94 : f32
    %ge3A = vector.broadcast %min3A_95 : f32 to vector<1x2048xf32>
    %ge3A_96 = arith.cmpf oge, %convert_element_type3A_79, %ge3A : vector<1x2048xf32>
    %iota3A_97 = tpu.iota {dimensions = array<i32: 1>} : vector<1x2048xi32>
    %and3A = arith.constant 15 : i32
    %and3A_98 = vector.broadcast %and3A : i32 to vector<1x2048xi32>
    %and3A_99 = arith.andi %iota3A_97, %and3A_98 : vector<1x2048xi32>
    %mul3A = arith.constant 513 : i32
    %mul3A_100 = vector.broadcast %mul3A : i32 to vector<1x2048xi32>
    %mul3A_101 = arith.muli %and3A_99, %mul3A_100 : vector<1x2048xi32>
    %add3A_102 = arith.constant 512 : i32
    %add3A_103 = vector.broadcast %add3A_102 : i32 to vector<1x2048xi32>
    %add3A_104 = arith.addi %mul3A_101, %add3A_103 : vector<1x2048xi32>
    %mul3A_105 = arith.constant 513 : i32
    %mul3A_106 = arith.muli %arg0, %mul3A_105 : i32
    %add3A_107 = vector.broadcast %mul3A_106 : i32 to vector<1x2048xi32>
    %add3A_108 = arith.addi %add3A_107, %min3A_88 : vector<1x2048xi32>
    %select_n3A = arith.select %ge3A_96, %add3A_104, %add3A_108 : vector<1x2048xi1>, vector<1x2048xi32>
    %swap3A_109 = arith.constant 0 : index
    %swap3A_110 = arith.constant 0 : index
    %swap3A_111 = arith.constant 0 : index
    %swap3A_112 = vector.load %arg10[%swap3A_109, %swap3A_110, %swap3A_111] : memref<1x1x2048xi32, #tpu.memory_space<vmem>>, vector<1x1x2048xi32>
    %swap3A_113 = vector.shape_cast %swap3A_112 : vector<1x1x2048xi32> to vector<1x2048xi32>
    %swap3A_114 = vector.shape_cast %select_n3A : vector<1x2048xi32> to vector<1x1x2048xi32>
    tpu.vector_store %arg10[%swap3A_109, %swap3A_110, %swap3A_111], %swap3A_114 {strides = array<i32>} : memref<1x1x2048xi32, #tpu.memory_space<vmem>>, vector<1x1x2048xi32>,
    %convert_element_type3A_115 = arith.extui %ge3A_96 : vector<1x2048xi1> to vector<1x2048xi32>
    %swap3A_116 = arith.constant 0 : index
    %swap3A_117 = arith.constant 0 : index
    %swap3A_118 = arith.constant 0 : index
    %swap3A_119 = vector.load %arg11[%swap3A_116, %swap3A_117, %swap3A_118] : memref<1x1x2048xi32, #tpu.memory_space<vmem>>, vector<1x1x2048xi32>
    %swap3A_120 = vector.shape_cast %swap3A_119 : vector<1x1x2048xi32> to vector<1x2048xi32>
    %swap3A_121 = vector.shape_cast %convert_element_type3A_115 : vector<1x2048xi32> to vector<1x1x2048xi32>
    tpu.vector_store %arg11[%swap3A_116, %swap3A_117, %swap3A_118], %swap3A_121 {strides = array<i32>} : memref<1x1x2048xi32, #tpu.memory_space<vmem>>, vector<1x1x2048xi32>,
    return
  }
  func.func @transform_0(%arg0: i32) -> (i32, i32, i32) {
    %c0_i32 = arith.constant 0 : i32
    %c0_i32_0 = arith.constant 0 : i32
    %c0_i32_1 = arith.constant 0 : i32
    return %arg0, %c0_i32, %c0_i32_0 : i32, i32, i32
  }
  func.func @transform_1(%arg0: i32) -> (i32, i32, i32) {
    %c0_i32 = arith.constant 0 : i32
    %c0_i32_0 = arith.constant 0 : i32
    %c0_i32_1 = arith.constant 0 : i32
    return %arg0, %c0_i32, %c0_i32_0 : i32, i32, i32
  }
  func.func @transform_2(%arg0: i32) -> (i32, i32, i32) {
    %c0_i32 = arith.constant 0 : i32
    %c0_i32_0 = arith.constant 0 : i32
    %c0_i32_1 = arith.constant 0 : i32
    return %arg0, %c0_i32, %c0_i32_0 : i32, i32, i32
  }
  func.func @transform_3(%arg0: i32) -> (i32, i32, i32) {
    %c0_i32 = arith.constant 0 : i32
    %c0_i32_0 = arith.constant 0 : i32
    %c0_i32_1 = arith.constant 0 : i32
    return %arg0, %c0_i32, %c0_i32_0 : i32, i32, i32
  }
  func.func @transform_4(%arg0: i32) -> (i32, i32) {
    %c0_i32 = arith.constant 0 : i32
    %c0_i32_0 = arith.constant 0 : i32
    %c0_i32_1 = arith.constant 0 : i32
    return %c0_i32, %c0_i32_0 : i32, i32
  }
  func.func @transform_5(%arg0: i32) -> (i32, i32) {
    %c0_i32 = arith.constant 0 : i32
    %c0_i32_0 = arith.constant 0 : i32
    %c0_i32_1 = arith.constant 0 : i32
    return %c0_i32, %c0_i32_0 : i32, i32
  }
  func.func @transform_6(%arg0: i32) -> (i32, i32) {
    %c0_i32 = arith.constant 0 : i32
    %c0_i32_0 = arith.constant 0 : i32
    %c0_i32_1 = arith.constant 0 : i32
    return %c0_i32, %c0_i32_0 : i32, i32
  }
  func.func @transform_7(%arg0: i32) -> (i32, i32) {
    %c0_i32 = arith.constant 0 : i32
    %c0_i32_0 = arith.constant 0 : i32
    %c0_i32_1 = arith.constant 0 : i32
    return %c0_i32, %c0_i32_0 : i32, i32
  }
  func.func @transform_8(%arg0: i32) -> (i32, i32, i32) {
    %c0_i32 = arith.constant 0 : i32
    %c0_i32_0 = arith.constant 0 : i32
    %c0_i32_1 = arith.constant 0 : i32
    return %arg0, %c0_i32, %c0_i32_0 : i32, i32, i32
  }
  func.func @transform_9(%arg0: i32) -> (i32, i32, i32) {
    %c0_i32 = arith.constant 0 : i32
    %c0_i32_0 = arith.constant 0 : i32
    %c0_i32_1 = arith.constant 0 : i32
    return %arg0, %c0_i32, %c0_i32_0 : i32, i32, i32
  }
  func.func @transform_10(%arg0: i32) -> (i32, i32, i32) {
    %c0_i32 = arith.constant 0 : i32
    %c0_i32_0 = arith.constant 0 : i32
    %c0_i32_1 = arith.constant 0 : i32
    return %arg0, %c0_i32, %c0_i32_0 : i32, i32, i32
  }
}

module attributes {stable_mosaic.version = 14 : i64} {
  func.func @_pred_body(%arg0: i32, %arg1: memref<1x512x256xf32, #tpu.memory_space<vmem>>, %arg2: memref<1x512x1xf32, #tpu.memory_space<vmem>>, %arg3: memref<1x256xf32, #tpu.memory_space<vmem>>, %arg4: memref<256x256xf32, #tpu.memory_space<vmem>>, %arg5: memref<1x512x1xf32, #tpu.memory_space<vmem>>, %arg6: memref<3x768x256xf32, #tpu.memory_space<vmem>>, %arg7: memref<3x1x256xf32, #tpu.memory_space<vmem>>, %arg8: memref<3x1x256xf32, #tpu.memory_space<vmem>>, %arg9: memref<3x1x256xf32, #tpu.memory_space<vmem>>, %arg10: memref<3x768x256xf32, #tpu.memory_space<vmem>>, %arg11: memref<3x1x256xf32, #tpu.memory_space<vmem>>, %arg12: memref<3x1x256xf32, #tpu.memory_space<vmem>>, %arg13: memref<3x1x256xf32, #tpu.memory_space<vmem>>, %arg14: memref<3x1x256xf32, #tpu.memory_space<vmem>>, %arg15: memref<3x1x1xf32, #tpu.memory_space<vmem>>, %arg16: memref<1x512x1xf32, #tpu.memory_space<vmem>>, %arg17: memref<1x512x1xf32, #tpu.memory_space<vmem>>, %arg18: memref<1x512x1xf32, #tpu.memory_space<vmem>>) attributes {dimension_semantics = [#tpu.dimension_semantics<arbitrary>], iteration_bounds = array<i64: 16>, scalar_prefetch = 0 : i64, scratch_operands = 0 : i64, tpu.core_type = #tpu.core_type<tc>, window_params = [{transform_indices = @transform_0, window_bounds = array<i64: 1, 512, 256>}, {transform_indices = @transform_1, window_bounds = array<i64: 1, 512, 1>}, {pipeline_mode = #tpu.pipeline_mode<synchronous>, transform_indices = @transform_2, window_bounds = array<i64: 1, 256>}, {pipeline_mode = #tpu.pipeline_mode<synchronous>, transform_indices = @transform_3, window_bounds = array<i64: 256, 256>}, {transform_indices = @transform_4, window_bounds = array<i64: 1, 512, 1>}, {pipeline_mode = #tpu.pipeline_mode<synchronous>, transform_indices = @transform_5, window_bounds = array<i64: 3, 768, 256>}, {pipeline_mode = #tpu.pipeline_mode<synchronous>, transform_indices = @transform_6, window_bounds = array<i64: 3, 1, 256>}, {pipeline_mode = #tpu.pipeline_mode<synchronous>, transform_indices = @transform_7, window_bounds = array<i64: 3, 1, 256>}, {pipeline_mode = #tpu.pipeline_mode<synchronous>, transform_indices = @transform_8, window_bounds = array<i64: 3, 1, 256>}, {pipeline_mode = #tpu.pipeline_mode<synchronous>, transform_indices = @transform_9, window_bounds = array<i64: 3, 768, 256>}, {pipeline_mode = #tpu.pipeline_mode<synchronous>, transform_indices = @transform_10, window_bounds = array<i64: 3, 1, 256>}, {pipeline_mode = #tpu.pipeline_mode<synchronous>, transform_indices = @transform_11, window_bounds = array<i64: 3, 1, 256>}, {pipeline_mode = #tpu.pipeline_mode<synchronous>, transform_indices = @transform_12, window_bounds = array<i64: 3, 1, 256>}, {pipeline_mode = #tpu.pipeline_mode<synchronous>, transform_indices = @transform_13, window_bounds = array<i64: 3, 1, 256>}, {pipeline_mode = #tpu.pipeline_mode<synchronous>, transform_indices = @transform_14, window_bounds = array<i64: 3, 1, 1>}, {transform_indices = @transform_15, window_bounds = array<i64: 1, 512, 1>}, {transform_indices = @transform_16, window_bounds = array<i64: 1, 512, 1>}, {transform_indices = @transform_17, window_bounds = array<i64: 1, 512, 1>}]} {
    %get3A = arith.constant 0 : index
    %get3A_0 = arith.constant 0 : index
    %get3A_1 = arith.constant 0 : index
    %get3A_2 = vector.load %arg1[%get3A, %get3A_0, %get3A_1] : memref<1x512x256xf32, #tpu.memory_space<vmem>>, vector<1x512x256xf32>
    %get3A_3 = vector.shape_cast %get3A_2 : vector<1x512x256xf32> to vector<512x256xf32>
    %get3A_4 = arith.constant 0 : index
    %get3A_5 = arith.constant 0 : index
    %get3A_6 = arith.constant 0 : index
    %get3A_7 = vector.load %arg5[%get3A_4, %get3A_5, %get3A_6] : memref<1x512x1xf32, #tpu.memory_space<vmem>>, vector<1x512x1xf32>
    %get3A_8 = vector.shape_cast %get3A_7 : vector<1x512x1xf32> to vector<512x1xf32>
    %broadcast_in_dim3A = arith.constant 0.000000e+00 : f32
    %broadcast_in_dim3A_9 = vector.broadcast %broadcast_in_dim3A : f32 to vector<1x256xf32>
    %slice3A = vector.extract_strided_slice %get3A_3 {offsets = [0, 0], sizes = [511, 256], strides = [1, 1]} : vector<512x256xf32> to vector<511x256xf32>
    %concatenate3A = tpu.concatenate %broadcast_in_dim3A_9, %slice3A in 0 : vector<1x256xf32>, vector<511x256xf32> -> vector<512x256xf32>
    %slice3A_10 = vector.extract_strided_slice %get3A_3 {offsets = [1, 0], sizes = [511, 256], strides = [1, 1]} : vector<512x256xf32> to vector<511x256xf32>
    %broadcast_in_dim3A_11 = arith.constant 0.000000e+00 : f32
    %broadcast_in_dim3A_12 = vector.broadcast %broadcast_in_dim3A_11 : f32 to vector<1x256xf32>
    %concatenate3A_13 = tpu.concatenate %slice3A_10, %broadcast_in_dim3A_12 in 0 : vector<511x256xf32>, vector<1x256xf32> -> vector<512x256xf32>
    %concatenate3A_14 = tpu.concatenate %concatenate3A, %get3A_3, %concatenate3A_13 in 1 : vector<512x256xf32>, vector<512x256xf32>, vector<512x256xf32> -> vector<512x768xf32>
    %get3A_15 = arith.constant 0 : index
    %get3A_16 = arith.constant 0 : index
    %get3A_17 = arith.constant 0 : index
    %get3A_18 = vector.load %arg6[%get3A_15, %get3A_16, %get3A_17] : memref<3x768x256xf32, #tpu.memory_space<vmem>>, vector<1x768x256xf32>
    %get3A_19 = vector.shape_cast %get3A_18 : vector<1x768x256xf32> to vector<768x256xf32>
    %dot_general3A = arith.constant dense<0.000000e+00> : vector<512x256xf32>
    %dot_general3A_20 = tpu.matmul %concatenate3A_14, %get3A_19, %dot_general3A {dimension_numbers = #tpu.dot_dimension_numbers<[1], [0], [0], [1], [0, 0, 1, 1], [], []>, transpose_lhs_hint = false} : vector<512x768xf32>, vector<768x256xf32>, vector<512x256xf32> -> vector<512x256xf32>
    %get3A_21 = arith.constant 0 : index
    %get3A_22 = arith.constant 0 : index
    %get3A_23 = arith.constant 0 : index
    %get3A_24 = vector.load %arg7[%get3A_21, %get3A_22, %get3A_23] : memref<3x1x256xf32, #tpu.memory_space<vmem>>, vector<1x1x256xf32>
    %get3A_25 = vector.shape_cast %get3A_24 : vector<1x1x256xf32> to vector<1x256xf32>
    %add3A = vector.broadcast %get3A_25 : vector<1x256xf32> to vector<512x256xf32>
    %add3A_26 = arith.addf %dot_general3A_20, %add3A : vector<512x256xf32>
    %max3A = arith.constant 0.000000e+00 : f32
    %max3A_27 = vector.broadcast %max3A : f32 to vector<512x256xf32>
    %max3A_28 = arith.maximumf %add3A_26, %max3A_27 : vector<512x256xf32>
    %reduce_sum3A = arith.constant dense<0.000000e+00> : vector<512xf32>
    %reduce_sum3A_29 = vector.multi_reduction <add>, %max3A_28, %reduce_sum3A [1] : vector<512x256xf32> to vector<512xf32>
    %broadcast_in_dim3A_30 = vector.shape_cast %reduce_sum3A_29 : vector<512xf32> to vector<512x1xf32>
    %div3A = arith.constant 2.560000e+02 : f32
    %div3A_31 = vector.broadcast %div3A : f32 to vector<512x1xf32>
    %div3A_32 = arith.divf %broadcast_in_dim3A_30, %div3A_31 : vector<512x1xf32>
    %sub3A = vector.broadcast %div3A_32 : vector<512x1xf32> to vector<512x256xf32>
    %sub3A_33 = arith.subf %max3A_28, %sub3A : vector<512x256xf32>
    %integer_pow3A = arith.mulf %sub3A_33, %sub3A_33 : vector<512x256xf32>
    %reduce_sum3A_34 = arith.constant dense<0.000000e+00> : vector<512xf32>
    %reduce_sum3A_35 = vector.multi_reduction <add>, %integer_pow3A, %reduce_sum3A_34 [1] : vector<512x256xf32> to vector<512xf32>
    %broadcast_in_dim3A_36 = vector.shape_cast %reduce_sum3A_35 : vector<512xf32> to vector<512x1xf32>
    %div3A_37 = arith.constant 2.560000e+02 : f32
    %div3A_38 = vector.broadcast %div3A_37 : f32 to vector<512x1xf32>
    %div3A_39 = arith.divf %broadcast_in_dim3A_36, %div3A_38 : vector<512x1xf32>
    %sub3A_40 = vector.broadcast %div3A_32 : vector<512x1xf32> to vector<512x256xf32>
    %sub3A_41 = arith.subf %max3A_28, %sub3A_40 : vector<512x256xf32>
    %add3A_42 = arith.constant 9.99999974E-6 : f32
    %add3A_43 = vector.broadcast %add3A_42 : f32 to vector<512x1xf32>
    %add3A_44 = arith.addf %div3A_39, %add3A_43 : vector<512x1xf32>
    %rsqrt3A = math.rsqrt %add3A_44 : vector<512x1xf32>
    %mul3A = vector.broadcast %rsqrt3A : vector<512x1xf32> to vector<512x256xf32>
    %mul3A_45 = arith.mulf %sub3A_41, %mul3A : vector<512x256xf32>
    %get3A_46 = arith.constant 0 : index
    %get3A_47 = arith.constant 0 : index
    %get3A_48 = arith.constant 0 : index
    %get3A_49 = vector.load %arg8[%get3A_46, %get3A_47, %get3A_48] : memref<3x1x256xf32, #tpu.memory_space<vmem>>, vector<1x1x256xf32>
    %get3A_50 = vector.shape_cast %get3A_49 : vector<1x1x256xf32> to vector<1x256xf32>
    %mul3A_51 = vector.broadcast %get3A_50 : vector<1x256xf32> to vector<512x256xf32>
    %mul3A_52 = arith.mulf %mul3A_45, %mul3A_51 : vector<512x256xf32>
    %get3A_53 = arith.constant 0 : index
    %get3A_54 = arith.constant 0 : index
    %get3A_55 = arith.constant 0 : index
    %get3A_56 = vector.load %arg9[%get3A_53, %get3A_54, %get3A_55] : memref<3x1x256xf32, #tpu.memory_space<vmem>>, vector<1x1x256xf32>
    %get3A_57 = vector.shape_cast %get3A_56 : vector<1x1x256xf32> to vector<1x256xf32>
    %add3A_58 = vector.broadcast %get3A_57 : vector<1x256xf32> to vector<512x256xf32>
    %add3A_59 = arith.addf %mul3A_52, %add3A_58 : vector<512x256xf32>
    %broadcast_in_dim3A_60 = arith.constant 0.000000e+00 : f32
    %broadcast_in_dim3A_61 = vector.broadcast %broadcast_in_dim3A_60 : f32 to vector<1x256xf32>
    %slice3A_62 = vector.extract_strided_slice %add3A_59 {offsets = [0, 0], sizes = [511, 256], strides = [1, 1]} : vector<512x256xf32> to vector<511x256xf32>
    %concatenate3A_63 = tpu.concatenate %broadcast_in_dim3A_61, %slice3A_62 in 0 : vector<1x256xf32>, vector<511x256xf32> -> vector<512x256xf32>
    %slice3A_64 = vector.extract_strided_slice %add3A_59 {offsets = [1, 0], sizes = [511, 256], strides = [1, 1]} : vector<512x256xf32> to vector<511x256xf32>
    %broadcast_in_dim3A_65 = arith.constant 0.000000e+00 : f32
    %broadcast_in_dim3A_66 = vector.broadcast %broadcast_in_dim3A_65 : f32 to vector<1x256xf32>
    %concatenate3A_67 = tpu.concatenate %slice3A_64, %broadcast_in_dim3A_66 in 0 : vector<511x256xf32>, vector<1x256xf32> -> vector<512x256xf32>
    %concatenate3A_68 = tpu.concatenate %concatenate3A_63, %add3A_59, %concatenate3A_67 in 1 : vector<512x256xf32>, vector<512x256xf32>, vector<512x256xf32> -> vector<512x768xf32>
    %get3A_69 = arith.constant 0 : index
    %get3A_70 = arith.constant 0 : index
    %get3A_71 = arith.constant 0 : index
    %get3A_72 = vector.load %arg10[%get3A_69, %get3A_70, %get3A_71] : memref<3x768x256xf32, #tpu.memory_space<vmem>>, vector<1x768x256xf32>
    %get3A_73 = vector.shape_cast %get3A_72 : vector<1x768x256xf32> to vector<768x256xf32>
    %dot_general3A_74 = arith.constant dense<0.000000e+00> : vector<512x256xf32>
    %dot_general3A_75 = tpu.matmul %concatenate3A_68, %get3A_73, %dot_general3A_74 {dimension_numbers = #tpu.dot_dimension_numbers<[1], [0], [0], [1], [0, 0, 1, 1], [], []>, transpose_lhs_hint = false} : vector<512x768xf32>, vector<768x256xf32>, vector<512x256xf32> -> vector<512x256xf32>
    %get3A_76 = arith.constant 0 : index
    %get3A_77 = arith.constant 0 : index
    %get3A_78 = arith.constant 0 : index
    %get3A_79 = vector.load %arg11[%get3A_76, %get3A_77, %get3A_78] : memref<3x1x256xf32, #tpu.memory_space<vmem>>, vector<1x1x256xf32>
    %get3A_80 = vector.shape_cast %get3A_79 : vector<1x1x256xf32> to vector<1x256xf32>
    %add3A_81 = vector.broadcast %get3A_80 : vector<1x256xf32> to vector<512x256xf32>
    %add3A_82 = arith.addf %dot_general3A_75, %add3A_81 : vector<512x256xf32>
    %max3A_83 = arith.constant 0.000000e+00 : f32
    %max3A_84 = vector.broadcast %max3A_83 : f32 to vector<512x256xf32>
    %max3A_85 = arith.maximumf %add3A_82, %max3A_84 : vector<512x256xf32>
    %reduce_sum3A_86 = arith.constant dense<0.000000e+00> : vector<512xf32>
    %reduce_sum3A_87 = vector.multi_reduction <add>, %max3A_85, %reduce_sum3A_86 [1] : vector<512x256xf32> to vector<512xf32>
    %broadcast_in_dim3A_88 = vector.shape_cast %reduce_sum3A_87 : vector<512xf32> to vector<512x1xf32>
    %div3A_89 = arith.constant 2.560000e+02 : f32
    %div3A_90 = vector.broadcast %div3A_89 : f32 to vector<512x1xf32>
    %div3A_91 = arith.divf %broadcast_in_dim3A_88, %div3A_90 : vector<512x1xf32>
    %sub3A_92 = vector.broadcast %div3A_91 : vector<512x1xf32> to vector<512x256xf32>
    %sub3A_93 = arith.subf %max3A_85, %sub3A_92 : vector<512x256xf32>
    %integer_pow3A_94 = arith.mulf %sub3A_93, %sub3A_93 : vector<512x256xf32>
    %reduce_sum3A_95 = arith.constant dense<0.000000e+00> : vector<512xf32>
    %reduce_sum3A_96 = vector.multi_reduction <add>, %integer_pow3A_94, %reduce_sum3A_95 [1] : vector<512x256xf32> to vector<512xf32>
    %broadcast_in_dim3A_97 = vector.shape_cast %reduce_sum3A_96 : vector<512xf32> to vector<512x1xf32>
    %div3A_98 = arith.constant 2.560000e+02 : f32
    %div3A_99 = vector.broadcast %div3A_98 : f32 to vector<512x1xf32>
    %div3A_100 = arith.divf %broadcast_in_dim3A_97, %div3A_99 : vector<512x1xf32>
    %sub3A_101 = vector.broadcast %div3A_91 : vector<512x1xf32> to vector<512x256xf32>
    %sub3A_102 = arith.subf %max3A_85, %sub3A_101 : vector<512x256xf32>
    %add3A_103 = arith.constant 9.99999974E-6 : f32
    %add3A_104 = vector.broadcast %add3A_103 : f32 to vector<512x1xf32>
    %add3A_105 = arith.addf %div3A_100, %add3A_104 : vector<512x1xf32>
    %rsqrt3A_106 = math.rsqrt %add3A_105 : vector<512x1xf32>
    %mul3A_107 = vector.broadcast %rsqrt3A_106 : vector<512x1xf32> to vector<512x256xf32>
    %mul3A_108 = arith.mulf %sub3A_102, %mul3A_107 : vector<512x256xf32>
    %get3A_109 = arith.constant 0 : index
    %get3A_110 = arith.constant 0 : index
    %get3A_111 = arith.constant 0 : index
    %get3A_112 = vector.load %arg12[%get3A_109, %get3A_110, %get3A_111] : memref<3x1x256xf32, #tpu.memory_space<vmem>>, vector<1x1x256xf32>
    %get3A_113 = vector.shape_cast %get3A_112 : vector<1x1x256xf32> to vector<1x256xf32>
    %mul3A_114 = vector.broadcast %get3A_113 : vector<1x256xf32> to vector<512x256xf32>
    %mul3A_115 = arith.mulf %mul3A_108, %mul3A_114 : vector<512x256xf32>
    %get3A_116 = arith.constant 0 : index
    %get3A_117 = arith.constant 0 : index
    %get3A_118 = arith.constant 0 : index
    %get3A_119 = vector.load %arg13[%get3A_116, %get3A_117, %get3A_118] : memref<3x1x256xf32, #tpu.memory_space<vmem>>, vector<1x1x256xf32>
    %get3A_120 = vector.shape_cast %get3A_119 : vector<1x1x256xf32> to vector<1x256xf32>
    %add3A_121 = vector.broadcast %get3A_120 : vector<1x256xf32> to vector<512x256xf32>
    %add3A_122 = arith.addf %mul3A_115, %add3A_121 : vector<512x256xf32>
    %get3A_123 = arith.constant 0 : index
    %get3A_124 = arith.constant 0 : index
    %get3A_125 = arith.constant 0 : index
    %get3A_126 = vector.load %arg14[%get3A_123, %get3A_124, %get3A_125] : memref<3x1x256xf32, #tpu.memory_space<vmem>>, vector<1x1x256xf32>
    %get3A_127 = vector.shape_cast %get3A_126 : vector<1x1x256xf32> to vector<1x256xf32>
    %mul3A_128 = vector.broadcast %get3A_127 : vector<1x256xf32> to vector<512x256xf32>
    %mul3A_129 = arith.mulf %add3A_122, %mul3A_128 : vector<512x256xf32>
    %reduce_sum3A_130 = arith.constant dense<0.000000e+00> : vector<512xf32>
    %reduce_sum3A_131 = vector.multi_reduction <add>, %mul3A_129, %reduce_sum3A_130 [1] : vector<512x256xf32> to vector<512xf32>
    %broadcast_in_dim3A_132 = vector.shape_cast %reduce_sum3A_131 : vector<512xf32> to vector<512x1xf32>
    %get3A_133 = arith.constant 0 : index
    %get3A_134 = arith.constant 0 : index
    %get3A_135 = arith.constant 0 : index
    %get3A_136 = vector.load %arg15[%get3A_133, %get3A_134, %get3A_135] : memref<3x1x1xf32, #tpu.memory_space<vmem>>, vector<1x1x1xf32>
    %get3A_137 = vector.shape_cast %get3A_136 : vector<1x1x1xf32> to vector<1x1xf32>
    %add3A_138 = vector.broadcast %get3A_137 : vector<1x1xf32> to vector<512x1xf32>
    %add3A_139 = arith.addf %broadcast_in_dim3A_132, %add3A_138 : vector<512x1xf32>
    %mul3A_140 = arith.mulf %add3A_139, %get3A_8 : vector<512x1xf32>
    %swap3A = arith.constant 0 : index
    %swap3A_141 = arith.constant 0 : index
    %swap3A_142 = arith.constant 0 : index
    %swap3A_143 = vector.load %arg16[%swap3A, %swap3A_141, %swap3A_142] : memref<1x512x1xf32, #tpu.memory_space<vmem>>, vector<1x512x1xf32>
    %swap3A_144 = vector.shape_cast %swap3A_143 : vector<1x512x1xf32> to vector<512x1xf32>
    %swap3A_145 = vector.shape_cast %mul3A_140 : vector<512x1xf32> to vector<1x512x1xf32>
    tpu.vector_store %arg16[%swap3A, %swap3A_141, %swap3A_142], %swap3A_145 {strides = array<i32>} : memref<1x512x1xf32, #tpu.memory_space<vmem>>, vector<1x512x1xf32>,
    %broadcast_in_dim3A_146 = arith.constant 0.000000e+00 : f32
    %broadcast_in_dim3A_147 = vector.broadcast %broadcast_in_dim3A_146 : f32 to vector<1x256xf32>
    %slice3A_148 = vector.extract_strided_slice %get3A_3 {offsets = [0, 0], sizes = [511, 256], strides = [1, 1]} : vector<512x256xf32> to vector<511x256xf32>
    %concatenate3A_149 = tpu.concatenate %broadcast_in_dim3A_147, %slice3A_148 in 0 : vector<1x256xf32>, vector<511x256xf32> -> vector<512x256xf32>
    %slice3A_150 = vector.extract_strided_slice %get3A_3 {offsets = [1, 0], sizes = [511, 256], strides = [1, 1]} : vector<512x256xf32> to vector<511x256xf32>
    %broadcast_in_dim3A_151 = arith.constant 0.000000e+00 : f32
    %broadcast_in_dim3A_152 = vector.broadcast %broadcast_in_dim3A_151 : f32 to vector<1x256xf32>
    %concatenate3A_153 = tpu.concatenate %slice3A_150, %broadcast_in_dim3A_152 in 0 : vector<511x256xf32>, vector<1x256xf32> -> vector<512x256xf32>
    %concatenate3A_154 = tpu.concatenate %concatenate3A_149, %get3A_3, %concatenate3A_153 in 1 : vector<512x256xf32>, vector<512x256xf32>, vector<512x256xf32> -> vector<512x768xf32>
    %get3A_155 = arith.constant 1 : index
    %get3A_156 = arith.constant 0 : index
    %get3A_157 = arith.constant 0 : index
    %get3A_158 = vector.load %arg6[%get3A_155, %get3A_156, %get3A_157] : memref<3x768x256xf32, #tpu.memory_space<vmem>>, vector<1x768x256xf32>
    %get3A_159 = vector.shape_cast %get3A_158 : vector<1x768x256xf32> to vector<768x256xf32>
    %dot_general3A_160 = arith.constant dense<0.000000e+00> : vector<512x256xf32>
    %dot_general3A_161 = tpu.matmul %concatenate3A_154, %get3A_159, %dot_general3A_160 {dimension_numbers = #tpu.dot_dimension_numbers<[1], [0], [0], [1], [0, 0, 1, 1], [], []>, transpose_lhs_hint = false} : vector<512x768xf32>, vector<768x256xf32>, vector<512x256xf32> -> vector<512x256xf32>
    %get3A_162 = arith.constant 1 : index
    %get3A_163 = arith.constant 0 : index
    %get3A_164 = arith.constant 0 : index
    %get3A_165 = vector.load %arg7[%get3A_162, %get3A_163, %get3A_164] : memref<3x1x256xf32, #tpu.memory_space<vmem>>, vector<1x1x256xf32>
    %get3A_166 = vector.shape_cast %get3A_165 : vector<1x1x256xf32> to vector<1x256xf32>
    %add3A_167 = vector.broadcast %get3A_166 : vector<1x256xf32> to vector<512x256xf32>
    %add3A_168 = arith.addf %dot_general3A_161, %add3A_167 : vector<512x256xf32>
    %max3A_169 = arith.constant 0.000000e+00 : f32
    %max3A_170 = vector.broadcast %max3A_169 : f32 to vector<512x256xf32>
    %max3A_171 = arith.maximumf %add3A_168, %max3A_170 : vector<512x256xf32>
    %reduce_sum3A_172 = arith.constant dense<0.000000e+00> : vector<512xf32>
    %reduce_sum3A_173 = vector.multi_reduction <add>, %max3A_171, %reduce_sum3A_172 [1] : vector<512x256xf32> to vector<512xf32>
    %broadcast_in_dim3A_174 = vector.shape_cast %reduce_sum3A_173 : vector<512xf32> to vector<512x1xf32>
    %div3A_175 = arith.constant 2.560000e+02 : f32
    %div3A_176 = vector.broadcast %div3A_175 : f32 to vector<512x1xf32>
    %div3A_177 = arith.divf %broadcast_in_dim3A_174, %div3A_176 : vector<512x1xf32>
    %sub3A_178 = vector.broadcast %div3A_177 : vector<512x1xf32> to vector<512x256xf32>
    %sub3A_179 = arith.subf %max3A_171, %sub3A_178 : vector<512x256xf32>
    %integer_pow3A_180 = arith.mulf %sub3A_179, %sub3A_179 : vector<512x256xf32>
    %reduce_sum3A_181 = arith.constant dense<0.000000e+00> : vector<512xf32>
    %reduce_sum3A_182 = vector.multi_reduction <add>, %integer_pow3A_180, %reduce_sum3A_181 [1] : vector<512x256xf32> to vector<512xf32>
    %broadcast_in_dim3A_183 = vector.shape_cast %reduce_sum3A_182 : vector<512xf32> to vector<512x1xf32>
    %div3A_184 = arith.constant 2.560000e+02 : f32
    %div3A_185 = vector.broadcast %div3A_184 : f32 to vector<512x1xf32>
    %div3A_186 = arith.divf %broadcast_in_dim3A_183, %div3A_185 : vector<512x1xf32>
    %sub3A_187 = vector.broadcast %div3A_177 : vector<512x1xf32> to vector<512x256xf32>
    %sub3A_188 = arith.subf %max3A_171, %sub3A_187 : vector<512x256xf32>
    %add3A_189 = arith.constant 9.99999974E-6 : f32
    %add3A_190 = vector.broadcast %add3A_189 : f32 to vector<512x1xf32>
    %add3A_191 = arith.addf %div3A_186, %add3A_190 : vector<512x1xf32>
    %rsqrt3A_192 = math.rsqrt %add3A_191 : vector<512x1xf32>
    %mul3A_193 = vector.broadcast %rsqrt3A_192 : vector<512x1xf32> to vector<512x256xf32>
    %mul3A_194 = arith.mulf %sub3A_188, %mul3A_193 : vector<512x256xf32>
    %get3A_195 = arith.constant 1 : index
    %get3A_196 = arith.constant 0 : index
    %get3A_197 = arith.constant 0 : index
    %get3A_198 = vector.load %arg8[%get3A_195, %get3A_196, %get3A_197] : memref<3x1x256xf32, #tpu.memory_space<vmem>>, vector<1x1x256xf32>
    %get3A_199 = vector.shape_cast %get3A_198 : vector<1x1x256xf32> to vector<1x256xf32>
    %mul3A_200 = vector.broadcast %get3A_199 : vector<1x256xf32> to vector<512x256xf32>
    %mul3A_201 = arith.mulf %mul3A_194, %mul3A_200 : vector<512x256xf32>
    %get3A_202 = arith.constant 1 : index
    %get3A_203 = arith.constant 0 : index
    %get3A_204 = arith.constant 0 : index
    %get3A_205 = vector.load %arg9[%get3A_202, %get3A_203, %get3A_204] : memref<3x1x256xf32, #tpu.memory_space<vmem>>, vector<1x1x256xf32>
    %get3A_206 = vector.shape_cast %get3A_205 : vector<1x1x256xf32> to vector<1x256xf32>
    %add3A_207 = vector.broadcast %get3A_206 : vector<1x256xf32> to vector<512x256xf32>
    %add3A_208 = arith.addf %mul3A_201, %add3A_207 : vector<512x256xf32>
    %broadcast_in_dim3A_209 = arith.constant 0.000000e+00 : f32
    %broadcast_in_dim3A_210 = vector.broadcast %broadcast_in_dim3A_209 : f32 to vector<1x256xf32>
    %slice3A_211 = vector.extract_strided_slice %add3A_208 {offsets = [0, 0], sizes = [511, 256], strides = [1, 1]} : vector<512x256xf32> to vector<511x256xf32>
    %concatenate3A_212 = tpu.concatenate %broadcast_in_dim3A_210, %slice3A_211 in 0 : vector<1x256xf32>, vector<511x256xf32> -> vector<512x256xf32>
    %slice3A_213 = vector.extract_strided_slice %add3A_208 {offsets = [1, 0], sizes = [511, 256], strides = [1, 1]} : vector<512x256xf32> to vector<511x256xf32>
    %broadcast_in_dim3A_214 = arith.constant 0.000000e+00 : f32
    %broadcast_in_dim3A_215 = vector.broadcast %broadcast_in_dim3A_214 : f32 to vector<1x256xf32>
    %concatenate3A_216 = tpu.concatenate %slice3A_213, %broadcast_in_dim3A_215 in 0 : vector<511x256xf32>, vector<1x256xf32> -> vector<512x256xf32>
    %concatenate3A_217 = tpu.concatenate %concatenate3A_212, %add3A_208, %concatenate3A_216 in 1 : vector<512x256xf32>, vector<512x256xf32>, vector<512x256xf32> -> vector<512x768xf32>
    %get3A_218 = arith.constant 1 : index
    %get3A_219 = arith.constant 0 : index
    %get3A_220 = arith.constant 0 : index
    %get3A_221 = vector.load %arg10[%get3A_218, %get3A_219, %get3A_220] : memref<3x768x256xf32, #tpu.memory_space<vmem>>, vector<1x768x256xf32>
    %get3A_222 = vector.shape_cast %get3A_221 : vector<1x768x256xf32> to vector<768x256xf32>
    %dot_general3A_223 = arith.constant dense<0.000000e+00> : vector<512x256xf32>
    %dot_general3A_224 = tpu.matmul %concatenate3A_217, %get3A_222, %dot_general3A_223 {dimension_numbers = #tpu.dot_dimension_numbers<[1], [0], [0], [1], [0, 0, 1, 1], [], []>, transpose_lhs_hint = false} : vector<512x768xf32>, vector<768x256xf32>, vector<512x256xf32> -> vector<512x256xf32>
    %get3A_225 = arith.constant 1 : index
    %get3A_226 = arith.constant 0 : index
    %get3A_227 = arith.constant 0 : index
    %get3A_228 = vector.load %arg11[%get3A_225, %get3A_226, %get3A_227] : memref<3x1x256xf32, #tpu.memory_space<vmem>>, vector<1x1x256xf32>
    %get3A_229 = vector.shape_cast %get3A_228 : vector<1x1x256xf32> to vector<1x256xf32>
    %add3A_230 = vector.broadcast %get3A_229 : vector<1x256xf32> to vector<512x256xf32>
    %add3A_231 = arith.addf %dot_general3A_224, %add3A_230 : vector<512x256xf32>
    %max3A_232 = arith.constant 0.000000e+00 : f32
    %max3A_233 = vector.broadcast %max3A_232 : f32 to vector<512x256xf32>
    %max3A_234 = arith.maximumf %add3A_231, %max3A_233 : vector<512x256xf32>
    %reduce_sum3A_235 = arith.constant dense<0.000000e+00> : vector<512xf32>
    %reduce_sum3A_236 = vector.multi_reduction <add>, %max3A_234, %reduce_sum3A_235 [1] : vector<512x256xf32> to vector<512xf32>
    %broadcast_in_dim3A_237 = vector.shape_cast %reduce_sum3A_236 : vector<512xf32> to vector<512x1xf32>
    %div3A_238 = arith.constant 2.560000e+02 : f32
    %div3A_239 = vector.broadcast %div3A_238 : f32 to vector<512x1xf32>
    %div3A_240 = arith.divf %broadcast_in_dim3A_237, %div3A_239 : vector<512x1xf32>
    %sub3A_241 = vector.broadcast %div3A_240 : vector<512x1xf32> to vector<512x256xf32>
    %sub3A_242 = arith.subf %max3A_234, %sub3A_241 : vector<512x256xf32>
    %integer_pow3A_243 = arith.mulf %sub3A_242, %sub3A_242 : vector<512x256xf32>
    %reduce_sum3A_244 = arith.constant dense<0.000000e+00> : vector<512xf32>
    %reduce_sum3A_245 = vector.multi_reduction <add>, %integer_pow3A_243, %reduce_sum3A_244 [1] : vector<512x256xf32> to vector<512xf32>
    %broadcast_in_dim3A_246 = vector.shape_cast %reduce_sum3A_245 : vector<512xf32> to vector<512x1xf32>
    %div3A_247 = arith.constant 2.560000e+02 : f32
    %div3A_248 = vector.broadcast %div3A_247 : f32 to vector<512x1xf32>
    %div3A_249 = arith.divf %broadcast_in_dim3A_246, %div3A_248 : vector<512x1xf32>
    %sub3A_250 = vector.broadcast %div3A_240 : vector<512x1xf32> to vector<512x256xf32>
    %sub3A_251 = arith.subf %max3A_234, %sub3A_250 : vector<512x256xf32>
    %add3A_252 = arith.constant 9.99999974E-6 : f32
    %add3A_253 = vector.broadcast %add3A_252 : f32 to vector<512x1xf32>
    %add3A_254 = arith.addf %div3A_249, %add3A_253 : vector<512x1xf32>
    %rsqrt3A_255 = math.rsqrt %add3A_254 : vector<512x1xf32>
    %mul3A_256 = vector.broadcast %rsqrt3A_255 : vector<512x1xf32> to vector<512x256xf32>
    %mul3A_257 = arith.mulf %sub3A_251, %mul3A_256 : vector<512x256xf32>
    %get3A_258 = arith.constant 1 : index
    %get3A_259 = arith.constant 0 : index
    %get3A_260 = arith.constant 0 : index
    %get3A_261 = vector.load %arg12[%get3A_258, %get3A_259, %get3A_260] : memref<3x1x256xf32, #tpu.memory_space<vmem>>, vector<1x1x256xf32>
    %get3A_262 = vector.shape_cast %get3A_261 : vector<1x1x256xf32> to vector<1x256xf32>
    %mul3A_263 = vector.broadcast %get3A_262 : vector<1x256xf32> to vector<512x256xf32>
    %mul3A_264 = arith.mulf %mul3A_257, %mul3A_263 : vector<512x256xf32>
    %get3A_265 = arith.constant 1 : index
    %get3A_266 = arith.constant 0 : index
    %get3A_267 = arith.constant 0 : index
    %get3A_268 = vector.load %arg13[%get3A_265, %get3A_266, %get3A_267] : memref<3x1x256xf32, #tpu.memory_space<vmem>>, vector<1x1x256xf32>
    %get3A_269 = vector.shape_cast %get3A_268 : vector<1x1x256xf32> to vector<1x256xf32>
    %add3A_270 = vector.broadcast %get3A_269 : vector<1x256xf32> to vector<512x256xf32>
    %add3A_271 = arith.addf %mul3A_264, %add3A_270 : vector<512x256xf32>
    %get3A_272 = arith.constant 1 : index
    %get3A_273 = arith.constant 0 : index
    %get3A_274 = arith.constant 0 : index
    %get3A_275 = vector.load %arg14[%get3A_272, %get3A_273, %get3A_274] : memref<3x1x256xf32, #tpu.memory_space<vmem>>, vector<1x1x256xf32>
    %get3A_276 = vector.shape_cast %get3A_275 : vector<1x1x256xf32> to vector<1x256xf32>
    %mul3A_277 = vector.broadcast %get3A_276 : vector<1x256xf32> to vector<512x256xf32>
    %mul3A_278 = arith.mulf %add3A_271, %mul3A_277 : vector<512x256xf32>
    %reduce_sum3A_279 = arith.constant dense<0.000000e+00> : vector<512xf32>
    %reduce_sum3A_280 = vector.multi_reduction <add>, %mul3A_278, %reduce_sum3A_279 [1] : vector<512x256xf32> to vector<512xf32>
    %broadcast_in_dim3A_281 = vector.shape_cast %reduce_sum3A_280 : vector<512xf32> to vector<512x1xf32>
    %get3A_282 = arith.constant 1 : index
    %get3A_283 = arith.constant 0 : index
    %get3A_284 = arith.constant 0 : index
    %get3A_285 = vector.load %arg15[%get3A_282, %get3A_283, %get3A_284] : memref<3x1x1xf32, #tpu.memory_space<vmem>>, vector<1x1x1xf32>
    %get3A_286 = vector.shape_cast %get3A_285 : vector<1x1x1xf32> to vector<1x1xf32>
    %add3A_287 = vector.broadcast %get3A_286 : vector<1x1xf32> to vector<512x1xf32>
    %add3A_288 = arith.addf %broadcast_in_dim3A_281, %add3A_287 : vector<512x1xf32>
    %mul3A_289 = arith.mulf %add3A_288, %get3A_8 : vector<512x1xf32>
    %swap3A_290 = arith.constant 0 : index
    %swap3A_291 = arith.constant 0 : index
    %swap3A_292 = arith.constant 0 : index
    %swap3A_293 = vector.load %arg17[%swap3A_290, %swap3A_291, %swap3A_292] : memref<1x512x1xf32, #tpu.memory_space<vmem>>, vector<1x512x1xf32>
    %swap3A_294 = vector.shape_cast %swap3A_293 : vector<1x512x1xf32> to vector<512x1xf32>
    %swap3A_295 = vector.shape_cast %mul3A_289 : vector<512x1xf32> to vector<1x512x1xf32>
    tpu.vector_store %arg17[%swap3A_290, %swap3A_291, %swap3A_292], %swap3A_295 {strides = array<i32>} : memref<1x512x1xf32, #tpu.memory_space<vmem>>, vector<1x512x1xf32>,
    %get3A_296 = arith.constant 0 : index
    %get3A_297 = arith.constant 0 : index
    %get3A_298 = vector.load %arg3[%get3A_296, %get3A_297] : memref<1x256xf32, #tpu.memory_space<vmem>>, vector<1x256xf32>
    %get3A_299 = vector.shape_cast %get3A_298 : vector<1x256xf32> to vector<256xf32>
    %broadcast_in_dim3A_300 = vector.shape_cast %get3A_299 : vector<256xf32> to vector<1x256xf32>
    %get3A_301 = arith.constant 0 : index
    %get3A_302 = arith.constant 0 : index
    %get3A_303 = arith.constant 0 : index
    %get3A_304 = vector.load %arg2[%get3A_301, %get3A_302, %get3A_303] : memref<1x512x1xf32, #tpu.memory_space<vmem>>, vector<1x512x1xf32>
    %get3A_305 = vector.shape_cast %get3A_304 : vector<1x512x1xf32> to vector<512x1xf32>
    %lt3A = vector.broadcast %broadcast_in_dim3A_300 : vector<1x256xf32> to vector<512x256xf32>
    %lt3A_306 = vector.broadcast %get3A_305 : vector<512x1xf32> to vector<512x256xf32>
    %lt3A_307 = arith.cmpf olt, %lt3A, %lt3A_306 : vector<512x256xf32>
    %convert_element_type3A = arith.extui %lt3A_307 : vector<512x256xi1> to vector<512x256xi32>
    %convert_element_type3A_308 = arith.sitofp %convert_element_type3A : vector<512x256xi32> to vector<512x256xf32>
    %broadcast_in_dim3A_309 = arith.constant 1.000000e+00 : f32
    %broadcast_in_dim3A_310 = vector.broadcast %broadcast_in_dim3A_309 : f32 to vector<256x1xf32>
    %dot_general3A_311 = arith.constant dense<0.000000e+00> : vector<512x1xf32>
    %dot_general3A_312 = tpu.matmul %convert_element_type3A_308, %broadcast_in_dim3A_310, %dot_general3A_311 {dimension_numbers = #tpu.dot_dimension_numbers<[1], [0], [0], [1], [0, 0, 1, 1], [], []>, transpose_lhs_hint = false} : vector<512x256xf32>, vector<256x1xf32>, vector<512x1xf32> -> vector<512x1xf32>
    %convert_element_type3A_313 = arith.fptosi %dot_general3A_312 : vector<512x1xf32> to vector<512x1xi32>
    %iota3A = tpu.iota {dimensions = array<i32: 1>} : vector<1x256xi32>
    %eq3A = vector.broadcast %convert_element_type3A_313 : vector<512x1xi32> to vector<512x256xi32>
    %eq3A_314 = vector.broadcast %iota3A : vector<1x256xi32> to vector<512x256xi32>
    %eq3A_315 = arith.cmpi eq, %eq3A, %eq3A_314 : vector<512x256xi32>
    %convert_element_type3A_316 = arith.extui %eq3A_315 : vector<512x256xi1> to vector<512x256xi32>
    %convert_element_type3A_317 = arith.sitofp %convert_element_type3A_316 : vector<512x256xi32> to vector<512x256xf32>
    %get3A_318 = arith.constant 0 : index
    %get3A_319 = arith.constant 0 : index
    %get3A_320 = vector.load %arg4[%get3A_318, %get3A_319] : memref<256x256xf32, #tpu.memory_space<vmem>>, vector<256x256xf32>
    %dot_general3A_321 = arith.constant dense<0.000000e+00> : vector<512x256xf32>
    %dot_general3A_322 = tpu.matmul %convert_element_type3A_317, %get3A_320, %dot_general3A_321 {dimension_numbers = #tpu.dot_dimension_numbers<[1], [0], [0], [1], [0, 0, 1, 1], [], []>, transpose_lhs_hint = false} : vector<512x256xf32>, vector<256x256xf32>, vector<512x256xf32> -> vector<512x256xf32>
    %add3A_323 = arith.addf %get3A_3, %dot_general3A_322 : vector<512x256xf32>
    %broadcast_in_dim3A_324 = arith.constant 0.000000e+00 : f32
    %broadcast_in_dim3A_325 = vector.broadcast %broadcast_in_dim3A_324 : f32 to vector<1x256xf32>
    %slice3A_326 = vector.extract_strided_slice %add3A_323 {offsets = [0, 0], sizes = [511, 256], strides = [1, 1]} : vector<512x256xf32> to vector<511x256xf32>
    %concatenate3A_327 = tpu.concatenate %broadcast_in_dim3A_325, %slice3A_326 in 0 : vector<1x256xf32>, vector<511x256xf32> -> vector<512x256xf32>
    %slice3A_328 = vector.extract_strided_slice %add3A_323 {offsets = [1, 0], sizes = [511, 256], strides = [1, 1]} : vector<512x256xf32> to vector<511x256xf32>
    %broadcast_in_dim3A_329 = arith.constant 0.000000e+00 : f32
    %broadcast_in_dim3A_330 = vector.broadcast %broadcast_in_dim3A_329 : f32 to vector<1x256xf32>
    %concatenate3A_331 = tpu.concatenate %slice3A_328, %broadcast_in_dim3A_330 in 0 : vector<511x256xf32>, vector<1x256xf32> -> vector<512x256xf32>
    %concatenate3A_332 = tpu.concatenate %concatenate3A_327, %add3A_323, %concatenate3A_331 in 1 : vector<512x256xf32>, vector<512x256xf32>, vector<512x256xf32> -> vector<512x768xf32>
    %get3A_333 = arith.constant 2 : index
    %get3A_334 = arith.constant 0 : index
    %get3A_335 = arith.constant 0 : index
    %get3A_336 = vector.load %arg6[%get3A_333, %get3A_334, %get3A_335] : memref<3x768x256xf32, #tpu.memory_space<vmem>>, vector<1x768x256xf32>
    %get3A_337 = vector.shape_cast %get3A_336 : vector<1x768x256xf32> to vector<768x256xf32>
    %dot_general3A_338 = arith.constant dense<0.000000e+00> : vector<512x256xf32>
    %dot_general3A_339 = tpu.matmul %concatenate3A_332, %get3A_337, %dot_general3A_338 {dimension_numbers = #tpu.dot_dimension_numbers<[1], [0], [0], [1], [0, 0, 1, 1], [], []>, transpose_lhs_hint = false} : vector<512x768xf32>, vector<768x256xf32>, vector<512x256xf32> -> vector<512x256xf32>
    %get3A_340 = arith.constant 2 : index
    %get3A_341 = arith.constant 0 : index
    %get3A_342 = arith.constant 0 : index
    %get3A_343 = vector.load %arg7[%get3A_340, %get3A_341, %get3A_342] : memref<3x1x256xf32, #tpu.memory_space<vmem>>, vector<1x1x256xf32>
    %get3A_344 = vector.shape_cast %get3A_343 : vector<1x1x256xf32> to vector<1x256xf32>
    %add3A_345 = vector.broadcast %get3A_344 : vector<1x256xf32> to vector<512x256xf32>
    %add3A_346 = arith.addf %dot_general3A_339, %add3A_345 : vector<512x256xf32>
    %max3A_347 = arith.constant 0.000000e+00 : f32
    %max3A_348 = vector.broadcast %max3A_347 : f32 to vector<512x256xf32>
    %max3A_349 = arith.maximumf %add3A_346, %max3A_348 : vector<512x256xf32>
    %reduce_sum3A_350 = arith.constant dense<0.000000e+00> : vector<512xf32>
    %reduce_sum3A_351 = vector.multi_reduction <add>, %max3A_349, %reduce_sum3A_350 [1] : vector<512x256xf32> to vector<512xf32>
    %broadcast_in_dim3A_352 = vector.shape_cast %reduce_sum3A_351 : vector<512xf32> to vector<512x1xf32>
    %div3A_353 = arith.constant 2.560000e+02 : f32
    %div3A_354 = vector.broadcast %div3A_353 : f32 to vector<512x1xf32>
    %div3A_355 = arith.divf %broadcast_in_dim3A_352, %div3A_354 : vector<512x1xf32>
    %sub3A_356 = vector.broadcast %div3A_355 : vector<512x1xf32> to vector<512x256xf32>
    %sub3A_357 = arith.subf %max3A_349, %sub3A_356 : vector<512x256xf32>
    %integer_pow3A_358 = arith.mulf %sub3A_357, %sub3A_357 : vector<512x256xf32>
    %reduce_sum3A_359 = arith.constant dense<0.000000e+00> : vector<512xf32>
    %reduce_sum3A_360 = vector.multi_reduction <add>, %integer_pow3A_358, %reduce_sum3A_359 [1] : vector<512x256xf32> to vector<512xf32>
    %broadcast_in_dim3A_361 = vector.shape_cast %reduce_sum3A_360 : vector<512xf32> to vector<512x1xf32>
    %div3A_362 = arith.constant 2.560000e+02 : f32
    %div3A_363 = vector.broadcast %div3A_362 : f32 to vector<512x1xf32>
    %div3A_364 = arith.divf %broadcast_in_dim3A_361, %div3A_363 : vector<512x1xf32>
    %sub3A_365 = vector.broadcast %div3A_355 : vector<512x1xf32> to vector<512x256xf32>
    %sub3A_366 = arith.subf %max3A_349, %sub3A_365 : vector<512x256xf32>
    %add3A_367 = arith.constant 9.99999974E-6 : f32
    %add3A_368 = vector.broadcast %add3A_367 : f32 to vector<512x1xf32>
    %add3A_369 = arith.addf %div3A_364, %add3A_368 : vector<512x1xf32>
    %rsqrt3A_370 = math.rsqrt %add3A_369 : vector<512x1xf32>
    %mul3A_371 = vector.broadcast %rsqrt3A_370 : vector<512x1xf32> to vector<512x256xf32>
    %mul3A_372 = arith.mulf %sub3A_366, %mul3A_371 : vector<512x256xf32>
    %get3A_373 = arith.constant 2 : index
    %get3A_374 = arith.constant 0 : index
    %get3A_375 = arith.constant 0 : index
    %get3A_376 = vector.load %arg8[%get3A_373, %get3A_374, %get3A_375] : memref<3x1x256xf32, #tpu.memory_space<vmem>>, vector<1x1x256xf32>
    %get3A_377 = vector.shape_cast %get3A_376 : vector<1x1x256xf32> to vector<1x256xf32>
    %mul3A_378 = vector.broadcast %get3A_377 : vector<1x256xf32> to vector<512x256xf32>
    %mul3A_379 = arith.mulf %mul3A_372, %mul3A_378 : vector<512x256xf32>
    %get3A_380 = arith.constant 2 : index
    %get3A_381 = arith.constant 0 : index
    %get3A_382 = arith.constant 0 : index
    %get3A_383 = vector.load %arg9[%get3A_380, %get3A_381, %get3A_382] : memref<3x1x256xf32, #tpu.memory_space<vmem>>, vector<1x1x256xf32>
    %get3A_384 = vector.shape_cast %get3A_383 : vector<1x1x256xf32> to vector<1x256xf32>
    %add3A_385 = vector.broadcast %get3A_384 : vector<1x256xf32> to vector<512x256xf32>
    %add3A_386 = arith.addf %mul3A_379, %add3A_385 : vector<512x256xf32>
    %broadcast_in_dim3A_387 = arith.constant 0.000000e+00 : f32
    %broadcast_in_dim3A_388 = vector.broadcast %broadcast_in_dim3A_387 : f32 to vector<1x256xf32>
    %slice3A_389 = vector.extract_strided_slice %add3A_386 {offsets = [0, 0], sizes = [511, 256], strides = [1, 1]} : vector<512x256xf32> to vector<511x256xf32>
    %concatenate3A_390 = tpu.concatenate %broadcast_in_dim3A_388, %slice3A_389 in 0 : vector<1x256xf32>, vector<511x256xf32> -> vector<512x256xf32>
    %slice3A_391 = vector.extract_strided_slice %add3A_386 {offsets = [1, 0], sizes = [511, 256], strides = [1, 1]} : vector<512x256xf32> to vector<511x256xf32>
    %broadcast_in_dim3A_392 = arith.constant 0.000000e+00 : f32
    %broadcast_in_dim3A_393 = vector.broadcast %broadcast_in_dim3A_392 : f32 to vector<1x256xf32>
    %concatenate3A_394 = tpu.concatenate %slice3A_391, %broadcast_in_dim3A_393 in 0 : vector<511x256xf32>, vector<1x256xf32> -> vector<512x256xf32>
    %concatenate3A_395 = tpu.concatenate %concatenate3A_390, %add3A_386, %concatenate3A_394 in 1 : vector<512x256xf32>, vector<512x256xf32>, vector<512x256xf32> -> vector<512x768xf32>
    %get3A_396 = arith.constant 2 : index
    %get3A_397 = arith.constant 0 : index
    %get3A_398 = arith.constant 0 : index
    %get3A_399 = vector.load %arg10[%get3A_396, %get3A_397, %get3A_398] : memref<3x768x256xf32, #tpu.memory_space<vmem>>, vector<1x768x256xf32>
    %get3A_400 = vector.shape_cast %get3A_399 : vector<1x768x256xf32> to vector<768x256xf32>
    %dot_general3A_401 = arith.constant dense<0.000000e+00> : vector<512x256xf32>
    %dot_general3A_402 = tpu.matmul %concatenate3A_395, %get3A_400, %dot_general3A_401 {dimension_numbers = #tpu.dot_dimension_numbers<[1], [0], [0], [1], [0, 0, 1, 1], [], []>, transpose_lhs_hint = false} : vector<512x768xf32>, vector<768x256xf32>, vector<512x256xf32> -> vector<512x256xf32>
    %get3A_403 = arith.constant 2 : index
    %get3A_404 = arith.constant 0 : index
    %get3A_405 = arith.constant 0 : index
    %get3A_406 = vector.load %arg11[%get3A_403, %get3A_404, %get3A_405] : memref<3x1x256xf32, #tpu.memory_space<vmem>>, vector<1x1x256xf32>
    %get3A_407 = vector.shape_cast %get3A_406 : vector<1x1x256xf32> to vector<1x256xf32>
    %add3A_408 = vector.broadcast %get3A_407 : vector<1x256xf32> to vector<512x256xf32>
    %add3A_409 = arith.addf %dot_general3A_402, %add3A_408 : vector<512x256xf32>
    %max3A_410 = arith.constant 0.000000e+00 : f32
    %max3A_411 = vector.broadcast %max3A_410 : f32 to vector<512x256xf32>
    %max3A_412 = arith.maximumf %add3A_409, %max3A_411 : vector<512x256xf32>
    %reduce_sum3A_413 = arith.constant dense<0.000000e+00> : vector<512xf32>
    %reduce_sum3A_414 = vector.multi_reduction <add>, %max3A_412, %reduce_sum3A_413 [1] : vector<512x256xf32> to vector<512xf32>
    %broadcast_in_dim3A_415 = vector.shape_cast %reduce_sum3A_414 : vector<512xf32> to vector<512x1xf32>
    %div3A_416 = arith.constant 2.560000e+02 : f32
    %div3A_417 = vector.broadcast %div3A_416 : f32 to vector<512x1xf32>
    %div3A_418 = arith.divf %broadcast_in_dim3A_415, %div3A_417 : vector<512x1xf32>
    %sub3A_419 = vector.broadcast %div3A_418 : vector<512x1xf32> to vector<512x256xf32>
    %sub3A_420 = arith.subf %max3A_412, %sub3A_419 : vector<512x256xf32>
    %integer_pow3A_421 = arith.mulf %sub3A_420, %sub3A_420 : vector<512x256xf32>
    %reduce_sum3A_422 = arith.constant dense<0.000000e+00> : vector<512xf32>
    %reduce_sum3A_423 = vector.multi_reduction <add>, %integer_pow3A_421, %reduce_sum3A_422 [1] : vector<512x256xf32> to vector<512xf32>
    %broadcast_in_dim3A_424 = vector.shape_cast %reduce_sum3A_423 : vector<512xf32> to vector<512x1xf32>
    %div3A_425 = arith.constant 2.560000e+02 : f32
    %div3A_426 = vector.broadcast %div3A_425 : f32 to vector<512x1xf32>
    %div3A_427 = arith.divf %broadcast_in_dim3A_424, %div3A_426 : vector<512x1xf32>
    %sub3A_428 = vector.broadcast %div3A_418 : vector<512x1xf32> to vector<512x256xf32>
    %sub3A_429 = arith.subf %max3A_412, %sub3A_428 : vector<512x256xf32>
    %add3A_430 = arith.constant 9.99999974E-6 : f32
    %add3A_431 = vector.broadcast %add3A_430 : f32 to vector<512x1xf32>
    %add3A_432 = arith.addf %div3A_427, %add3A_431 : vector<512x1xf32>
    %rsqrt3A_433 = math.rsqrt %add3A_432 : vector<512x1xf32>
    %mul3A_434 = vector.broadcast %rsqrt3A_433 : vector<512x1xf32> to vector<512x256xf32>
    %mul3A_435 = arith.mulf %sub3A_429, %mul3A_434 : vector<512x256xf32>
    %get3A_436 = arith.constant 2 : index
    %get3A_437 = arith.constant 0 : index
    %get3A_438 = arith.constant 0 : index
    %get3A_439 = vector.load %arg12[%get3A_436, %get3A_437, %get3A_438] : memref<3x1x256xf32, #tpu.memory_space<vmem>>, vector<1x1x256xf32>
    %get3A_440 = vector.shape_cast %get3A_439 : vector<1x1x256xf32> to vector<1x256xf32>
    %mul3A_441 = vector.broadcast %get3A_440 : vector<1x256xf32> to vector<512x256xf32>
    %mul3A_442 = arith.mulf %mul3A_435, %mul3A_441 : vector<512x256xf32>
    %get3A_443 = arith.constant 2 : index
    %get3A_444 = arith.constant 0 : index
    %get3A_445 = arith.constant 0 : index
    %get3A_446 = vector.load %arg13[%get3A_443, %get3A_444, %get3A_445] : memref<3x1x256xf32, #tpu.memory_space<vmem>>, vector<1x1x256xf32>
    %get3A_447 = vector.shape_cast %get3A_446 : vector<1x1x256xf32> to vector<1x256xf32>
    %add3A_448 = vector.broadcast %get3A_447 : vector<1x256xf32> to vector<512x256xf32>
    %add3A_449 = arith.addf %mul3A_442, %add3A_448 : vector<512x256xf32>
    %get3A_450 = arith.constant 2 : index
    %get3A_451 = arith.constant 0 : index
    %get3A_452 = arith.constant 0 : index
    %get3A_453 = vector.load %arg14[%get3A_450, %get3A_451, %get3A_452] : memref<3x1x256xf32, #tpu.memory_space<vmem>>, vector<1x1x256xf32>
    %get3A_454 = vector.shape_cast %get3A_453 : vector<1x1x256xf32> to vector<1x256xf32>
    %mul3A_455 = vector.broadcast %get3A_454 : vector<1x256xf32> to vector<512x256xf32>
    %mul3A_456 = arith.mulf %add3A_449, %mul3A_455 : vector<512x256xf32>
    %reduce_sum3A_457 = arith.constant dense<0.000000e+00> : vector<512xf32>
    %reduce_sum3A_458 = vector.multi_reduction <add>, %mul3A_456, %reduce_sum3A_457 [1] : vector<512x256xf32> to vector<512xf32>
    %broadcast_in_dim3A_459 = vector.shape_cast %reduce_sum3A_458 : vector<512xf32> to vector<512x1xf32>
    %get3A_460 = arith.constant 2 : index
    %get3A_461 = arith.constant 0 : index
    %get3A_462 = arith.constant 0 : index
    %get3A_463 = vector.load %arg15[%get3A_460, %get3A_461, %get3A_462] : memref<3x1x1xf32, #tpu.memory_space<vmem>>, vector<1x1x1xf32>
    %get3A_464 = vector.shape_cast %get3A_463 : vector<1x1x1xf32> to vector<1x1xf32>
    %add3A_465 = vector.broadcast %get3A_464 : vector<1x1xf32> to vector<512x1xf32>
    %add3A_466 = arith.addf %broadcast_in_dim3A_459, %add3A_465 : vector<512x1xf32>
    %mul3A_467 = arith.mulf %add3A_466, %get3A_8 : vector<512x1xf32>
    %swap3A_468 = arith.constant 0 : index
    %swap3A_469 = arith.constant 0 : index
    %swap3A_470 = arith.constant 0 : index
    %swap3A_471 = vector.load %arg18[%swap3A_468, %swap3A_469, %swap3A_470] : memref<1x512x1xf32, #tpu.memory_space<vmem>>, vector<1x512x1xf32>
    %swap3A_472 = vector.shape_cast %swap3A_471 : vector<1x512x1xf32> to vector<512x1xf32>
    %swap3A_473 = vector.shape_cast %mul3A_467 : vector<512x1xf32> to vector<1x512x1xf32>
    tpu.vector_store %arg18[%swap3A_468, %swap3A_469, %swap3A_470], %swap3A_473 {strides = array<i32>} : memref<1x512x1xf32, #tpu.memory_space<vmem>>, vector<1x512x1xf32>,
    return
  }
  func.func @transform_0(%arg0: i32) -> (i32, i32, i32) {
    %c0_i32 = arith.constant 0 : i32
    %c0_i32_0 = arith.constant 0 : i32
    %c0_i32_1 = arith.constant 0 : i32
    return %arg0, %c0_i32, %c0_i32_0 : i32, i32, i32
  }
  func.func @transform_1(%arg0: i32) -> (i32, i32, i32) {
    %c0_i32 = arith.constant 0 : i32
    %c0_i32_0 = arith.constant 0 : i32
    %c0_i32_1 = arith.constant 0 : i32
    return %arg0, %c0_i32, %c0_i32_0 : i32, i32, i32
  }
  func.func @transform_2(%arg0: i32) -> (i32, i32) {
    %c0_i32 = arith.constant 0 : i32
    %c0_i32_0 = arith.constant 0 : i32
    %c0_i32_1 = arith.constant 0 : i32
    return %c0_i32, %c0_i32_0 : i32, i32
  }
  func.func @transform_3(%arg0: i32) -> (i32, i32) {
    %c0_i32 = arith.constant 0 : i32
    %c0_i32_0 = arith.constant 0 : i32
    %c0_i32_1 = arith.constant 0 : i32
    return %c0_i32, %c0_i32_0 : i32, i32
  }
  func.func @transform_4(%arg0: i32) -> (i32, i32, i32) {
    %c0_i32 = arith.constant 0 : i32
    %c0_i32_0 = arith.constant 0 : i32
    %c0_i32_1 = arith.constant 0 : i32
    return %arg0, %c0_i32, %c0_i32_0 : i32, i32, i32
  }
  func.func @transform_5(%arg0: i32) -> (i32, i32, i32) {
    %c0_i32 = arith.constant 0 : i32
    %c0_i32_0 = arith.constant 0 : i32
    %c0_i32_1 = arith.constant 0 : i32
    %c0_i32_2 = arith.constant 0 : i32
    return %c0_i32, %c0_i32_0, %c0_i32_1 : i32, i32, i32
  }
  func.func @transform_6(%arg0: i32) -> (i32, i32, i32) {
    %c0_i32 = arith.constant 0 : i32
    %c0_i32_0 = arith.constant 0 : i32
    %c0_i32_1 = arith.constant 0 : i32
    %c0_i32_2 = arith.constant 0 : i32
    return %c0_i32, %c0_i32_0, %c0_i32_1 : i32, i32, i32
  }
  func.func @transform_7(%arg0: i32) -> (i32, i32, i32) {
    %c0_i32 = arith.constant 0 : i32
    %c0_i32_0 = arith.constant 0 : i32
    %c0_i32_1 = arith.constant 0 : i32
    %c0_i32_2 = arith.constant 0 : i32
    return %c0_i32, %c0_i32_0, %c0_i32_1 : i32, i32, i32
  }
  func.func @transform_8(%arg0: i32) -> (i32, i32, i32) {
    %c0_i32 = arith.constant 0 : i32
    %c0_i32_0 = arith.constant 0 : i32
    %c0_i32_1 = arith.constant 0 : i32
    %c0_i32_2 = arith.constant 0 : i32
    return %c0_i32, %c0_i32_0, %c0_i32_1 : i32, i32, i32
  }
  func.func @transform_9(%arg0: i32) -> (i32, i32, i32) {
    %c0_i32 = arith.constant 0 : i32
    %c0_i32_0 = arith.constant 0 : i32
    %c0_i32_1 = arith.constant 0 : i32
    %c0_i32_2 = arith.constant 0 : i32
    return %c0_i32, %c0_i32_0, %c0_i32_1 : i32, i32, i32
  }
  func.func @transform_10(%arg0: i32) -> (i32, i32, i32) {
    %c0_i32 = arith.constant 0 : i32
    %c0_i32_0 = arith.constant 0 : i32
    %c0_i32_1 = arith.constant 0 : i32
    %c0_i32_2 = arith.constant 0 : i32
    return %c0_i32, %c0_i32_0, %c0_i32_1 : i32, i32, i32
  }
  func.func @transform_11(%arg0: i32) -> (i32, i32, i32) {
    %c0_i32 = arith.constant 0 : i32
    %c0_i32_0 = arith.constant 0 : i32
    %c0_i32_1 = arith.constant 0 : i32
    %c0_i32_2 = arith.constant 0 : i32
    return %c0_i32, %c0_i32_0, %c0_i32_1 : i32, i32, i32
  }
  func.func @transform_12(%arg0: i32) -> (i32, i32, i32) {
    %c0_i32 = arith.constant 0 : i32
    %c0_i32_0 = arith.constant 0 : i32
    %c0_i32_1 = arith.constant 0 : i32
    %c0_i32_2 = arith.constant 0 : i32
    return %c0_i32, %c0_i32_0, %c0_i32_1 : i32, i32, i32
  }
  func.func @transform_13(%arg0: i32) -> (i32, i32, i32) {
    %c0_i32 = arith.constant 0 : i32
    %c0_i32_0 = arith.constant 0 : i32
    %c0_i32_1 = arith.constant 0 : i32
    %c0_i32_2 = arith.constant 0 : i32
    return %c0_i32, %c0_i32_0, %c0_i32_1 : i32, i32, i32
  }
  func.func @transform_14(%arg0: i32) -> (i32, i32, i32) {
    %c0_i32 = arith.constant 0 : i32
    %c0_i32_0 = arith.constant 0 : i32
    %c0_i32_1 = arith.constant 0 : i32
    %c0_i32_2 = arith.constant 0 : i32
    return %c0_i32, %c0_i32_0, %c0_i32_1 : i32, i32, i32
  }
  func.func @transform_15(%arg0: i32) -> (i32, i32, i32) {
    %c0_i32 = arith.constant 0 : i32
    %c0_i32_0 = arith.constant 0 : i32
    %c0_i32_1 = arith.constant 0 : i32
    return %arg0, %c0_i32, %c0_i32_0 : i32, i32, i32
  }
  func.func @transform_16(%arg0: i32) -> (i32, i32, i32) {
    %c0_i32 = arith.constant 0 : i32
    %c0_i32_0 = arith.constant 0 : i32
    %c0_i32_1 = arith.constant 0 : i32
    return %arg0, %c0_i32, %c0_i32_0 : i32, i32, i32
  }
  func.func @transform_17(%arg0: i32) -> (i32, i32, i32) {
    %c0_i32 = arith.constant 0 : i32
    %c0_i32_0 = arith.constant 0 : i32
    %c0_i32_1 = arith.constant 0 : i32
    return %arg0, %c0_i32, %c0_i32_0 : i32, i32, i32
  }
}

</mosaic_0001>

<sc_bundles>
// kernel: kernel.5.cloned.1.call-start
scs
__scs_entry_jumppad:
0x0: {  	(pc) =	sbr.rel $0x88, $3  }
0x1: {  	(tag) =	ssettag $0x0;
	lr =	simm.s32 $0x1  }
0x2: {  	[smem:$0x3F79] =	sst lr;
	_ =	strace $0xD0000000  }
0x3: {  	_ = 	snop  }
0x4: {  	_ = 	snop  }
0x5: {  	_ = 	snop  }
0x6: {  	_ = 	snop  }
0x7: {  	_ = 	snop  }
__scs_overlays_trampoline_lowered:
0x8: {  	[smem:$0x3F88] =	sst s0  }
0x9: {  	[smem:$0x3F89] =	sst s1  }
0xa: {  	[smem:$0x3F8A] =	sst s2  }
0xb: {  	[smem:$0x3F8B] =	sst s3  }
0xc: {  	[smem:$0x3F8C] =	sst s4  }
0xd: {  	[smem:$0x3F8D] =	sst s5  }
0xe: {  	[smem:$0x3F8E] =	sst s6  }
0xf: {  	[smem:$0x3F8F] =	sst s7  }
0x10: {  	[smem:$0x3F90] =	sst s8  }
0x11: {  	[smem:$0x3F91] =	sst s9;
	s0 =	simm.s32 @!p0 $0x0  }
0x12: {  	s1 =	sld [smem:$0x3F77];
	s0 =	simm.s32 @p0 $0x1  }
0x13: {  	[smem:$0x3F92] =	sst s0;
	s0 =	simm.s32 @!p1 $0x0  }
0x14: {  	s2 =	sld [smem:$0x3F76];
	s0 =	simm.s32 @p1 $0x1  }
0x15: {  	[smem:$0x3F93] =	sst s0;
	s0 =	simm.s32 @!p2 $0x0  }
0x16: {  	s3 =	sld [smem:$0x3FDB];
	s0 =	simm.s32 @p2 $0x1  }
0x17: {  	s4 =	simm.s32 $0x1BF5;
	[smem:$0x3F95] =	sst s0  }
0x18: {  	s0 =	sld [smem:$0x3F78];
	_ =	swait.ge [sflag:s4], $0x0  }
0x19: {  	s7 =	sld [smem:$0x3F79]  }
0x1a: {  	s8 =	sadd.s32 $0xFFFFE003, lr  }
0x1b: {  	s9 =	sadd.s32 $0xFFFFFEF7, lr;
	s5 =	simm.s32 $0xFFFFFFFF;
	p2 =	slt.u32 s8, $0xFFFFF086  }
0x1c: {  	p1 =	slt.u32 s9, $0xF7A;
	s5 =	simm.s32 @!p2 $0x0  }
0x1d: {  	s5 =	simm.s32 @p1 $0x1;
	p0 =	seq.s32 s7, s2  }
0x1e: {  	s7 =	smul.u32 @!p0 $0xF7A, s2;
	p2 =	seq.s32 @!p0 s5, $0x0  }
0x1f: {  	s9 =	smul.u32 $0xF7A, s1;
	s8 =	simm.s32 @!p0 $0x1BF5;
	p2 =	por !p2, p0  }
0x20: {  	[sflag:s8] =	ssyncset.s32 @!p0 $0xFFFFF086;
	s6 =	sadd.s32 @!p0 s3, s7;
	s7 =	simm.s32 @!p0 $0x108  }
0x21: {  	s3 =	sadd.s32 s3, s9;
	s6 =	sadd.s32 @!p0 $0x88, s6;
	s7 =	simm.s32 @p2 $0x1082  }
0x22: {  	[simem:s7], [sflag:s8] =	dma.local @!p0 [hbm:s6], $0xF7A  }
0x23: {  	s9 =	sor.u32 $0xD0000000, s2;
	s6 =	simm.s32 $0x108;
	_ =	swait.ge @!p0 [sflag:s8], $0x0  }
0x24: {  	s3 =	sadd.s32 $0x88, s3;
	s6 =	simm.s32 @!p1 $0x1082;
	[sflag:s4] =	ssyncset.s32 $0xFFFFF086  }
0x25: {  	[simem:s6], [sflag:s4] =	dma.local [hbm:s3], $0xF7A  }
0x26: {  	[smem:$0x3F79] =	sst s1;
	(tag) =	ssettag s2;
	_ =	strace s9  }
0x27: {  	s1 =	sld [smem:$0x3F89]  }
0x28: {  	s2 =	sld [smem:$0x3F8A]  }
0x29: {  	s4 =	sld [smem:$0x3F8C]  }
0x2a: {  	p0 =	seq.s32 s5, $0x0;
	s5 =	sld [smem:$0x3F8D]  }
0x2b: {  	s6 =	sld [smem:$0x3F8E]  }
0x2c: {  	s7 =	sld [smem:$0x3F8F]  }
0x2d: {  	s3 =	simm.s32 $0x108;
	s8 =	sld [smem:$0x3F90]  }
0x2e: {  	s3 =	simm.s32 @!p0 $0x1082;
	s9 =	sld [smem:$0x3F91]  }
0x2f: {  	lr =	sadd.s32 s0, s3;
	s0 =	sld [smem:$0x3F88]  }
0x30: {  	s3 =	sld [smem:$0x3F8B]  }
0x31: {  	[smem:$0x3F94] =	sst s10  }
0x32: {  	s10 =	sld [smem:$0x3F92];
	_ =	sdelay $0x3  }
0x33: {  	p0 =	seq.s32 s10, $0x1;
	s10 =	sld [smem:$0x3F94];
	_ =	sdelay $0x3  }
0x34: {  	[smem:$0x3F94] =	sst s10  }
0x35: {  	s10 =	sld [smem:$0x3F93];
	_ =	sdelay $0x3  }
0x36: {  	p1 =	seq.s32 s10, $0x1;
	s10 =	sld [smem:$0x3F94];
	_ =	sdelay $0x3  }
0x37: {  	[smem:$0x3F94] =	sst s10  }
0x38: {  	s10 =	sld [smem:$0x3F95]  }
0x39: {  	_ = 	snop;
	(pc) =	sbr.ind lr, $3  }
0x3a: {  	_ = 	snop  }
0x3b: {  	_ = 	snop  }
0x3c: {  	p2 =	seq.s32 s10, $0x1;
	s10 =	sld [smem:$0x3F94]  }
0x3d: {  	_ =	shalt  }
0x3e: {  	_ =	shalt  }
0x3f: {  	_ =	shalt  }
0x40: {  	_ =	shalt  }
0x41: {  	_ =	shalt  }
0x42: {  	_ =	shalt  }
0x43: {  	_ =	shalt  }
0x44: {  	_ =	shalt  }
0x45: {  	_ =	shalt  }
0x46: {  	_ =	shalt  }
0x47: {  	_ =	shalt  }
0x48: {  	_ =	shalt  }
0x49: {  	_ =	shalt  }
0x4a: {  	_ =	shalt  }
0x4b: {  	_ =	shalt  }
0x4c: {  	_ =	shalt  }
0x4d: {  	_ =	shalt  }
0x4e: {  	_ =	shalt  }
0x4f: {  	_ =	shalt  }
0x50: {  	_ =	shalt  }
0x51: {  	_ =	shalt  }
0x52: {  	_ =	shalt  }
0x53: {  	_ =	shalt  }
0x54: {  	_ =	shalt  }
0x55: {  	_ =	shalt  }
0x56: {  	_ =	shalt  }
0x57: {  	_ =	shalt  }
0x58: {  	_ =	shalt  }
0x59: {  	_ =	shalt  }
0x5a: {  	_ =	shalt  }
0x5b: {  	_ =	shalt  }
0x5c: {  	_ =	shalt  }
0x5d: {  	_ =	shalt  }
0x5e: {  	_ =	shalt  }
0x5f: {  	_ =	shalt  }
0x60: {  	_ =	shalt  }
0x61: {  	_ =	shalt  }
0x62: {  	_ =	shalt  }
0x63: {  	_ =	shalt  }
0x64: {  	_ =	shalt  }
0x65: {  	_ =	shalt  }
0x66: {  	_ =	shalt  }
0x67: {  	_ =	shalt  }
0x68: {  	_ =	shalt  }
0x69: {  	_ =	shalt  }
0x6a: {  	_ =	shalt  }
0x6b: {  	_ =	shalt  }
0x6c: {  	_ =	shalt  }
0x6d: {  	_ =	shalt  }
0x6e: {  	_ =	shalt  }
0x6f: {  	_ =	shalt  }
0x70: {  	_ =	shalt  }
0x71: {  	_ =	shalt  }
0x72: {  	_ =	shalt  }
0x73: {  	_ =	shalt  }
0x74: {  	_ =	shalt  }
0x75: {  	_ =	shalt  }
0x76: {  	_ =	shalt  }
0x77: {  	_ =	shalt  }
0x78: {  	_ =	shalt  }
0x79: {  	_ =	shalt  }
0x7a: {  	_ =	shalt  }
0x7b: {  	_ =	shalt  }
0x7c: {  	_ =	shalt  }
0x7d: {  	_ =	shalt  }
0x7e: {  	_ =	shalt  }
0x7f: {  	_ =	shalt  }
0x80: {  	_ =	shalt  }
0x81: {  	_ =	shalt  }
0x82: {  	_ =	shalt  }
0x83: {  	_ =	shalt  }
0x84: {  	_ =	shalt  }
0x85: {  	_ =	shalt  }
0x86: {  	_ =	shalt  }
0x87: {  	_ =	shalt  }
.Lfunc_end0:
.L_simem_size_0:
called_computation_lowered:
.L_overlay_start_0:
0x88: {  	s2 =	sld [smem:$0x3FD9]  }
0x89: {  	s3 =	sld [smem:$0x3FFE];
	_ =	sdelay $0x1  }
0x8a: {  	s1 =	srdreg.scid  }
0x8b: {  	s0 =	sand.u32 $0x1, s1  }
0x8c: {  	s14 =	sshll.u32 s0, $0xA;
	s2 =	sadd.s32 s3, s2  }
0x8d: {  	s2 =	sadd.s32 s2, s14  }
0x8e: {  	[smem:$0x3FA0] =	sst s2  }
0x8f: {  	_ = 	snop  }
0x90: {  	s2 =	sld [smem:$0x3FD0];
	_ =	sdelay $0x2  }
0x91: {  	s15 =	simm.s32 $0xA;
	s4 =	simm.s32 $0x10  }
0x92: {  	[smem:s4], [sflag:s15] =	dma.local [hbm:s2], $0x1  }
0x93: {  	_ =	swait.eq [sflag:s15], $0x1  }
0x94: {  	[sflag:s15] =	ssyncset.done $0x0  }
0x95: {  	[sflag:s15] =	ssyncadd.s32 $0xFFFFFFFF  }
0x96: {  	s16 =	sld [smem:$0x10];
	(tm) =	ssettm $0x1  }
0x97: {  	s17 =	sld [smem:$0x3FFB];
	_ =	sdelay $0x3  }
0x98: {  	_ =	strace s17  }
0x99: {  	s3 =	sld [smem:$0x3FFC];
	_ =	sdelay $0x3  }
0x9a: {  	_ =	strace s3  }
0x9b: {  	s3 =	sld [smem:$0x3FFD];
	_ =	sdelay $0x3  }
0x9c: {  	_ =	strace s3  }
0x9d: {  	_ =	strace $0x8FFFFFFF  }
0x9e: {  	s18 =	sld [smem:$0x3FDB];
	_ =	sdelay $0x1  }
0x9f: {  	s19 =	simm.s32 $_scs_section_size  }
0xa0: {  	s5 =	simm.s32 $_size__tile_overlayer_lowered;
	s6 =	simm.s32 $_tile_overlayer_lowered  }
0xa1: {  	s22 =	simm.s32 $0x1BFF;
	s21 =	sshll.u32 s6, $0x1;
	s3 =	sadd.s32 s19, s18  }
0xa2: {  	s7 =	simm.s32 $0x0;
	s20 =	sshll.u32 s5, $0x1;
	s5 =	sadd.s32 s21, s3  }
0xa3: {  	[timem:s7], [sflag:s22] =	dma.local [hbm:s5], s20  }
0xa4: {  	_ =	swait.ge [sflag:s22], s20  }
0xa5: {  	s4 =	ssub.s32 $0x0, s20;
	[sflag:s22] =	ssyncset.done $0x0  }
0xa6: {  	[sflag:s22] =	ssyncadd.s32 s4;
	_ =	sdelay $0x1  }
0xa7: {  	s23 =	simm.s32 $0x1B8B  }
0xa8: {  	_ =	swait.ge [sflag:s23], $0x1  }
0xa9: {  	[sflag:s23] =	ssyncset.done $0x0  }
0xaa: {  	s25 =	simm.s32 $0x1B8E;
	s24 =	sld [smem:$0x3FFE];
	[sflag:s23] =	ssyncadd.s32 $0xFFFFFFFF  }
0xab: {  	s26 =	simm.s32 $execute0_lowered;
	[smem:$0x3FD2] =	sst s25  }
0xac: {  	s5 =	sshll.u32 s26, $0x1;
	_ =	strace $0x80000046;
	[dreg:$0x1] =	wrdreg $0xFFFFFFFF  }
0xad: {  	s28 =	simm.s32 $_size_execute0_lowered;
	s3 =	sadd.s32 s3, s5;
	[dreg:$0x0] =	wrdreg $0x0  }
0xae: {  	s5 =	sshll.u32 s28, $0x1;
	[dreg:$0x2] =	wrdreg s3  }
0xaf: {  	[dreg:$0x3] =	wrdreg s5  }
0xb0: {  	[dreg:$0x4] =	wrdreg $0xC0  }
0xb1: {  	_ =	task [dreg:s7], $0x5FFFF  }
0xb2: {  	[dreg:$0x1] =	wrdreg $0xFFFFFFFF  }
0xb3: {  	[dreg:$0x0] =	wrdreg $0x60  }
0xb4: {  	[dreg:$0x2] =	wrdreg s24  }
0xb5: {  	[dreg:$0x3] =	wrdreg s16  }
0xb6: {  	[dreg:$0x4] =	wrdreg $0x9  }
0xb7: {  	_ =	task.clear_ibuf [dreg:s7], $0x5FFFF;
	_ =	strace $0x90000046  }
0xb8: {  	s29 =	simm.s32 $0x9;
	_ =	strace $0x80000048  }
0xb9: {  	_ =	swait.ge [sflag:s29], $0x1  }
0xba: {  	[sflag:s29] =	ssyncadd.s32 $0xFFFFFFFF  }
0xbb: {  	_ =	strace $0x90000048  }
0xbc: {  	_ =	sfence  }
0xbd: {  	s30 =	sld [smem:$0x0];
	_ =	sdelay $0x2  }
0xbe: {  	s31 =	sshll.u32 s1, $0xD;
	s1 =	sshrl.u32 s1, $0x2  }
0xbf: {  	s3 =	sand.u32 $0x4000, s31;
	s1 =	sadd.s32 s1, s30  }
0xc0: {  	s0 =	sor.u32 s3, s0;
	s1 =	sshll.u32 s1, $0x11  }
0xc1: {  	s0 =	sor.u32 s1, s0  }
0xc2: {  	s0 =	sadd.s32 $0x8F2B, s0  }
0xc3: {  	[sflag:s0] =	ssyncadd.remote.s32 $0x1  }
0xc4: {  	_ =	sfence.sel $0xFFFF  }
0xc5: {  	[dreg:$0x0] =	wrdreg $0xFFFFFFFF;
	(pc) =	sbr.abs _section_cstart, $3  }
0xc6: {  	[dreg:$0x1] =	wrdreg $0xFFFFFFFF  }
0xc7: {  	_ =	task.clear_ibuf [dreg:s7], $0x2FFFF;
	_ =	strace $0x9FFFFFFF  }
0xc8: {  	(tm) =	ssettm $0x7FFFFFFF  }
0xc9: {  	_ =	shalt  }
tec
execute0_lowered:
.L_overlay_start_1:
0x0: {  	(tag) =	ssettag $0x1  }
0x1: {  	s0 =	srdreg.scid;
	s1 =	rddreg [dreg:$0x0]  }
0x2: {  	s2 =	stileid.u32;
	s4 =	rddreg [dreg:$0x1];
	s28 =	simm.s32 $0x400  }
0x3: {  	s13 =	simm.s32 $0x1;
	s14 =	simm.s32 $0x4;
	s15 =	simm.s32 $0x2  }
0x4: {  	s16 =	simm.s32 $0x5;
	s17 =	simm.s32 $0x3;
	s18 =	simm.s32 $0x6  }
0x5: {  	s29 =	simm.s32 $0x4400;
	s30 =	simm.s32 $0x4C00;
	s31 =	simm.s32 $0x5400  }
0x6: {  	s7 =	simm.s32 $0x10C00;
	s10 =	simm.s32 $0x11400;
	s0 =	sand.u32 $0x1, s0  }
0x7: {  	s11 =	simm.s32 $0x11C00;
	s2 =	sshll.u32 s2, $0xB;
	s3 =	sshll.u32 s0, $0xA  }
0x8: {  	s12 =	simm.s32 $0x12400;
	s8 =	simm.s32 $0x14400;
	s3 =	sor.u32 s3, s2  }
0x9: {  	s2 =	simm.s32 $0x0;
	s5 =	sshrl.u32 s3, $0x3;
	s3 =	sshll.u32 s3, $0x5  }
0xa: {  	[smem:$0x7FF] =	sst s2;
	s5 =	sadd.s32 s5, s1;
	s6 =	sadd.s32 s4, s3  }
0xb: {  	_ =	strace $0x80000047;
	s5 =	sadd.s32 $0x3E00, s5;
	[dreg:$0xb] =	wrdreg s6  }
0xc: {  	s9 =	simm.s32 $0x14C00;
	s3 =	sadd.s32 $0x1000, s6;
	[dreg:$0x3] =	wrdreg s5  }
0xd: {  	s0 =	ssub.s32 $0x2, s0;
	s20 =	sadd.s32 $0x2000, s6;
	[dreg:$0x4] =	wrdreg s3  }
0xe: {  	s24 =	sshrl.u32 s0, $0x1;
	s21 =	sadd.s32 $0x3000, s6;
	[dreg:$0x5] =	wrdreg s20  }
0xf: {  	s0 =	ssub.s32 s0, s24;
	s22 =	sadd.s32 $0x4000, s6;
	[dreg:$0x6] =	wrdreg s21  }
0x10: {  	s24 =	simm.s32 $0x16C00;
	s23 =	sadd.s32 $0x5000, s6;
	[dreg:$0x7] =	wrdreg s22  }
0x11: {  	s4 =	sadd.s32 $0x4E00, s1;
	s25 =	sadd.s32 $0x6000, s6;
	[dreg:$0x8] =	wrdreg s23  }
0x12: {  	s26 =	sadd.s32 $0x7000, s6;
	s6 =	simm.s32 $0x13C00;
	[dreg:$0x9] =	wrdreg s25  }
0x13: {  	v2 =	vlaneseq.u32;
	[dreg:$0xa] =	wrdreg s26;
	s5 =	smax.u32 s0, $0x1;
	s23 =	simm.s32 $0x8400  }
0x14: {  	vm0 =	vmmov $0xffff;
	v1 =	vshrl.u32 v2, $0x3;
	s3 =	simm.s32 $0x13400;
	s20 =	simm.s32 $0x15400;
	s21 =	simm.s32 $0x15C00  }
0x15: {  	v0 =	vand.u32 $0x7, v2;
	v2 =	vor.u32 $0x8, v2;
	v1 =	vmul.u32 $0x8, v1;
	s22 =	simm.s32 $0x16400;
	s25 =	simm.s32 $0x17400;
	s26 =	simm.s32 $0x17C00  }
.LBB2_1:
0x16: {  	s19 =	rddreg [dreg:$0x3];
	s0 =	simm.s32 $0x7  }
0x17: {  	[tilespmem:s2], [sflag:$0x7] =	stream.linear.gather [hbm4b:s19+s2], $0x400, $0x38;
	[tilespmem:$0x18400] =	vst v63  }
0x18: {  	_ =	swait.ge [sflag:s0], $0x400  }
0x19: {  	[sflag:s0] =	ssyncset.done $0x0  }
0x1a: {  	[sflag:s0] =	ssyncadd.s32 $0xFFFFFC00  }
0x1b: {  	v3 =	vld [tilespmem:$0x0];
	_ =	sdelay $0x4  }
0x1c: {  	v4 =	vshll.u32 v3, $0x1  }
0x1d: {  	v3 =	vand.u32 $0x7, v3;
	v4 =	vand.u32 $0xFFFFFFF0, v4  }
0x1e: {  	v3 =	vor.u32 v3, v4  }
0x1f: {  	v4 =	vperm.xlane v3, v0;
	_ =	sdelay $0x1  }
0x20: {  	v3 =	vperm.xlane v3, v2;
	v4 =	vadd.s32 v1, v4;
	_ =	sdelay $0x1  }
0x21: {  	v3 =	vadd.s32 v1, v3;
	_ =	sdelay $0x2  }
0x22: {  	[tilespmem:s28], [sflag:$0x1] =	stream.indirect_vreg.gather [hbm4b:s4+s2], $0x80, v4, vm0, $0xb8;
	[tilespmem:$0x18400] =	vst v63  }
0x23: {  	s0 =	simm.s32 $0xC00  }
0x24: {  	[tilespmem:s0], [sflag:$0x1] =	stream.indirect_vreg.gather [hbm4b:s4+s2], $0x80, v3, vm0, $0xb8;
	[tilespmem:$0x18400] =	vst v63  }
0x25: {  	v3 =	vld [tilespmem:$0x10];
	_ =	sdelay $0x4  }
0x26: {  	v57 =	vshll.u32 v3, $0x1  }
0x27: {  	v3 =	vand.u32 $0x7, v3;
	v4 =	vand.u32 $0xFFFFFFF0, v57  }
0x28: {  	v3 =	vor.u32 v3, v4  }
0x29: {  	v4 =	vperm.xlane v3, v0;
	_ =	sdelay $0x1  }
0x2a: {  	v3 =	vperm.xlane v3, v2;
	v4 =	vadd.s32 v1, v4;
	_ =	sdelay $0x1  }
0x2b: {  	v3 =	vadd.s32 v1, v3;
	_ =	sdelay $0x1  }
0x2c: {  	s1 =	simm.s32 $0x1400  }
0x2d: {  	[tilespmem:s1], [sflag:$0x1] =	stream.indirect_vreg.gather [hbm4b:s4+s2], $0x80, v4, vm0, $0xb8;
	[tilespmem:$0x18400] =	vst v63  }
0x2e: {  	s19 =	simm.s32 $0x1C00  }
0x2f: {  	[tilespmem:s19], [sflag:$0x1] =	stream.indirect_vreg.gather [hbm4b:s4+s2], $0x80, v3, vm0, $0xb8;
	[tilespmem:$0x18400] =	vst v63  }
0x30: {  	v3 =	vld [tilespmem:$0x20];
	_ =	sdelay $0x4  }
0x31: {  	v58 =	vshll.u32 v3, $0x1  }
0x32: {  	v3 =	vand.u32 $0x7, v3;
	v4 =	vand.u32 $0xFFFFFFF0, v58  }
0x33: {  	v3 =	vor.u32 v3, v4  }
0x34: {  	v4 =	vperm.xlane v3, v0;
	_ =	sdelay $0x1  }
0x35: {  	v3 =	vperm.xlane v3, v2;
	v4 =	vadd.s32 v1, v4;
	_ =	sdelay $0x1  }
0x36: {  	v3 =	vadd.s32 v1, v3;
	_ =	sdelay $0x1  }
0x37: {  	s1 =	simm.s32 $0x2400  }
0x38: {  	[tilespmem:s1], [sflag:$0x1] =	stream.indirect_vreg.gather [hbm4b:s4+s2], $0x80, v4, vm0, $0xb8;
	[tilespmem:$0x18400] =	vst v63  }
0x39: {  	s19 =	simm.s32 $0x2C00  }
0x3a: {  	[tilespmem:s19], [sflag:$0x1] =	stream.indirect_vreg.gather [hbm4b:s4+s2], $0x80, v3, vm0, $0xb8;
	[tilespmem:$0x18400] =	vst v63  }
0x3b: {  	v3 =	vld [tilespmem:$0x30];
	_ =	sdelay $0x4  }
0x3c: {  	v59 =	vshll.u32 v3, $0x1  }
0x3d: {  	v3 =	vand.u32 $0x7, v3;
	v4 =	vand.u32 $0xFFFFFFF0, v59  }
0x3e: {  	v3 =	vor.u32 v3, v4  }
0x3f: {  	v4 =	vperm.xlane v3, v0;
	_ =	sdelay $0x1  }
0x40: {  	v3 =	vperm.xlane v3, v2;
	v4 =	vadd.s32 v1, v4;
	_ =	sdelay $0x1  }
0x41: {  	v3 =	vadd.s32 v1, v3;
	_ =	sdelay $0x1  }
0x42: {  	s1 =	simm.s32 $0x3400  }
0x43: {  	[tilespmem:s1], [sflag:$0x1] =	stream.indirect_vreg.gather [hbm4b:s4+s2], $0x80, v4, vm0, $0xb8;
	[tilespmem:$0x18400] =	vst v63  }
0x44: {  	s19 =	simm.s32 $0x3C00  }
0x45: {  	[tilespmem:s19], [sflag:$0x1] =	stream.indirect_vreg.gather [hbm4b:s4+s2], $0x80, v3, vm0, $0xb8;
	[tilespmem:$0x18400] =	vst v63  }
0x46: {  	v3 =	vld [tilespmem:$0x40];
	_ =	sdelay $0x4  }
0x47: {  	v60 =	vshll.u32 v3, $0x1  }
0x48: {  	v3 =	vand.u32 $0x7, v3;
	v4 =	vand.u32 $0xFFFFFFF0, v60  }
0x49: {  	v3 =	vor.u32 v3, v4  }
0x4a: {  	v4 =	vperm.xlane v3, v0;
	_ =	sdelay $0x1  }
0x4b: {  	v3 =	vperm.xlane v3, v2;
	v4 =	vadd.s32 v1, v4;
	_ =	sdelay $0x1  }
0x4c: {  	v3 =	vadd.s32 v1, v3;
	_ =	sdelay $0x2  }
0x4d: {  	[tilespmem:s29], [sflag:$0x1] =	stream.indirect_vreg.gather [hbm4b:s4+s2], $0x80, v4, vm0, $0xb8;
	[tilespmem:$0x18400] =	vst v63  }
0x4e: {  	_ = 	snop  }
0x4f: {  	[tilespmem:s30], [sflag:$0x1] =	stream.indirect_vreg.gather [hbm4b:s4+s2], $0x80, v3, vm0, $0xb8;
	[tilespmem:$0x18400] =	vst v63  }
0x50: {  	v3 =	vld [tilespmem:$0x50];
	_ =	sdelay $0x4  }
0x51: {  	v61 =	vshll.u32 v3, $0x1  }
0x52: {  	v3 =	vand.u32 $0x7, v3;
	v4 =	vand.u32 $0xFFFFFFF0, v61  }
0x53: {  	v3 =	vor.u32 v3, v4  }
0x54: {  	v4 =	vperm.xlane v3, v0;
	_ =	sdelay $0x1  }
0x55: {  	v3 =	vperm.xlane v3, v2;
	v4 =	vadd.s32 v1, v4;
	_ =	sdelay $0x1  }
0x56: {  	v3 =	vadd.s32 v1, v3;
	_ =	sdelay $0x2  }
0x57: {  	[tilespmem:s31], [sflag:$0x1] =	stream.indirect_vreg.gather [hbm4b:s4+s2], $0x80, v4, vm0, $0xb8;
	[tilespmem:$0x18400] =	vst v63  }
0x58: {  	s1 =	simm.s32 $0x5C00  }
0x59: {  	[tilespmem:s1], [sflag:$0x1] =	stream.indirect_vreg.gather [hbm4b:s4+s2], $0x80, v3, vm0, $0xb8;
	[tilespmem:$0x18400] =	vst v63  }
0x5a: {  	v3 =	vld [tilespmem:$0x60];
	_ =	sdelay $0x4  }
0x5b: {  	v62 =	vshll.u32 v3, $0x1  }
0x5c: {  	v3 =	vand.u32 $0x7, v3;
	v4 =	vand.u32 $0xFFFFFFF0, v62  }
0x5d: {  	v3 =	vor.u32 v3, v4  }
0x5e: {  	v4 =	vperm.xlane v3, v0;
	_ =	sdelay $0x1  }
0x5f: {  	v3 =	vperm.xlane v3, v2;
	v4 =	vadd.s32 v1, v4;
	_ =	sdelay $0x1  }
0x60: {  	v3 =	vadd.s32 v1, v3;
	_ =	sdelay $0x1  }
0x61: {  	s19 =	simm.s32 $0x6400  }
0x62: {  	[tilespmem:s19], [sflag:$0x1] =	stream.indirect_vreg.gather [hbm4b:s4+s2], $0x80, v4, vm0, $0xb8;
	[tilespmem:$0x18400] =	vst v63  }
0x63: {  	s1 =	simm.s32 $0x6C00  }
0x64: {  	[tilespmem:s1], [sflag:$0x1] =	stream.indirect_vreg.gather [hbm4b:s4+s2], $0x80, v3, vm0, $0xb8;
	[tilespmem:$0x18400] =	vst v63  }
0x65: {  	v3 =	vld [tilespmem:$0x70];
	_ =	sdelay $0x4  }
0x66: {  	v63 =	vshll.u32 v3, $0x1  }
0x67: {  	v3 =	vand.u32 $0x7, v3;
	v4 =	vand.u32 $0xFFFFFFF0, v63  }
0x68: {  	v3 =	vor.u32 v3, v4  }
0x69: {  	v4 =	vperm.xlane v3, v0;
	_ =	sdelay $0x1  }
0x6a: {  	v3 =	vperm.xlane v3, v2;
	v4 =	vadd.s32 v1, v4;
	_ =	sdelay $0x1  }
0x6b: {  	v3 =	vadd.s32 v1, v3;
	_ =	sdelay $0x1  }
0x6c: {  	s19 =	simm.s32 $0x7400  }
0x6d: {  	[tilespmem:s19], [sflag:$0x1] =	stream.indirect_vreg.gather [hbm4b:s4+s2], $0x80, v4, vm0, $0xb8;
	[tilespmem:$0x18400] =	vst v63  }
0x6e: {  	s1 =	simm.s32 $0x7C00  }
0x6f: {  	[tilespmem:s1], [sflag:$0x1] =	stream.indirect_vreg.gather [hbm4b:s4+s2], $0x80, v3, vm0, $0xb8;
	[tilespmem:$0x18400] =	vst v63  }
0x70: {  	v3 =	vld [tilespmem:$0x80];
	_ =	sdelay $0x4  }
0x71: {  	v8 =	vshll.u32 v3, $0x1  }
0x72: {  	v3 =	vand.u32 $0x7, v3;
	v4 =	vand.u32 $0xFFFFFFF0, v8  }
0x73: {  	v3 =	vor.u32 v3, v4  }
0x74: {  	v4 =	vperm.xlane v3, v0;
	_ =	sdelay $0x1  }
0x75: {  	v3 =	vperm.xlane v3, v2;
	v4 =	vadd.s32 v1, v4;
	_ =	sdelay $0x1  }
0x76: {  	v3 =	vadd.s32 v1, v3;
	_ =	sdelay $0x2  }
0x77: {  	[tilespmem:s23], [sflag:$0x2] =	stream.indirect_vreg.gather [hbm4b:s4+s2], $0x80, v4, vm0, $0xb8;
	[tilespmem:$0x18400] =	vst v63  }
0x78: {  	s19 =	simm.s32 $0x8C00  }
0x79: {  	[tilespmem:s19], [sflag:$0x2] =	stream.indirect_vreg.gather [hbm4b:s4+s2], $0x80, v3, vm0, $0xb8;
	[tilespmem:$0x18400] =	vst v63  }
0x7a: {  	v3 =	vld [tilespmem:$0x90];
	_ =	sdelay $0x4  }
0x7b: {  	v9 =	vshll.u32 v3, $0x1  }
0x7c: {  	v3 =	vand.u32 $0x7, v3;
	v4 =	vand.u32 $0xFFFFFFF0, v9  }
0x7d: {  	v3 =	vor.u32 v3, v4  }
0x7e: {  	v4 =	vperm.xlane v3, v0;
	_ =	sdelay $0x1  }
0x7f: {  	v3 =	vperm.xlane v3, v2;
	v4 =	vadd.s32 v1, v4;
	_ =	sdelay $0x1  }
0x80: {  	v3 =	vadd.s32 v1, v3;
	_ =	sdelay $0x1  }
0x81: {  	s1 =	simm.s32 $0x9400  }
0x82: {  	[tilespmem:s1], [sflag:$0x2] =	stream.indirect_vreg.gather [hbm4b:s4+s2], $0x80, v4, vm0, $0xb8;
	[tilespmem:$0x18400] =	vst v63  }
0x83: {  	s19 =	simm.s32 $0x9C00  }
0x84: {  	[tilespmem:s19], [sflag:$0x2] =	stream.indirect_vreg.gather [hbm4b:s4+s2], $0x80, v3, vm0, $0xb8;
	[tilespmem:$0x18400] =	vst v63  }
0x85: {  	v3 =	vld [tilespmem:$0xA0];
	_ =	sdelay $0x4  }
0x86: {  	v10 =	vshll.u32 v3, $0x1  }
0x87: {  	v3 =	vand.u32 $0x7, v3;
	v4 =	vand.u32 $0xFFFFFFF0, v10  }
0x88: {  	v3 =	vor.u32 v3, v4  }
0x89: {  	v4 =	vperm.xlane v3, v0;
	_ =	sdelay $0x1  }
0x8a: {  	v3 =	vperm.xlane v3, v2;
	v4 =	vadd.s32 v1, v4;
	_ =	sdelay $0x1  }
0x8b: {  	v3 =	vadd.s32 v1, v3;
	_ =	sdelay $0x1  }
0x8c: {  	s1 =	simm.s32 $0xA400  }
0x8d: {  	[tilespmem:s1], [sflag:$0x2] =	stream.indirect_vreg.gather [hbm4b:s4+s2], $0x80, v4, vm0, $0xb8;
	[tilespmem:$0x18400] =	vst v63  }
0x8e: {  	s19 =	simm.s32 $0xAC00  }
0x8f: {  	[tilespmem:s19], [sflag:$0x2] =	stream.indirect_vreg.gather [hbm4b:s4+s2], $0x80, v3, vm0, $0xb8;
	[tilespmem:$0x18400] =	vst v63  }
0x90: {  	v3 =	vld [tilespmem:$0xB0];
	_ =	sdelay $0x4  }
0x91: {  	v11 =	vshll.u32 v3, $0x1  }
0x92: {  	v3 =	vand.u32 $0x7, v3;
	v4 =	vand.u32 $0xFFFFFFF0, v11  }
0x93: {  	v3 =	vor.u32 v3, v4  }
0x94: {  	v4 =	vperm.xlane v3, v0;
	_ =	sdelay $0x1  }
0x95: {  	v3 =	vperm.xlane v3, v2;
	v4 =	vadd.s32 v1, v4;
	_ =	sdelay $0x1  }
0x96: {  	v3 =	vadd.s32 v1, v3;
	_ =	sdelay $0x1  }
0x97: {  	s1 =	simm.s32 $0xB400  }
0x98: {  	[tilespmem:s1], [sflag:$0x2] =	stream.indirect_vreg.gather [hbm4b:s4+s2], $0x80, v4, vm0, $0xb8;
	[tilespmem:$0x18400] =	vst v63  }
0x99: {  	s19 =	simm.s32 $0xBC00  }
0x9a: {  	[tilespmem:s19], [sflag:$0x2] =	stream.indirect_vreg.gather [hbm4b:s4+s2], $0x80, v3, vm0, $0xb8;
	[tilespmem:$0x18400] =	vst v63  }
0x9b: {  	v3 =	vld [tilespmem:$0xC0];
	_ =	sdelay $0x4  }
0x9c: {  	v12 =	vshll.u32 v3, $0x1  }
0x9d: {  	v3 =	vand.u32 $0x7, v3;
	v4 =	vand.u32 $0xFFFFFFF0, v12  }
0x9e: {  	v3 =	vor.u32 v3, v4  }
0x9f: {  	v4 =	vperm.xlane v3, v0;
	_ =	sdelay $0x1  }
0xa0: {  	v3 =	vperm.xlane v3, v2;
	v4 =	vadd.s32 v1, v4;
	_ =	sdelay $0x1  }
0xa1: {  	v3 =	vadd.s32 v1, v3;
	_ =	sdelay $0x1  }
0xa2: {  	s1 =	simm.s32 $0xC400  }
0xa3: {  	[tilespmem:s1], [sflag:$0x2] =	stream.indirect_vreg.gather [hbm4b:s4+s2], $0x80, v4, vm0, $0xb8;
	[tilespmem:$0x18400] =	vst v63  }
0xa4: {  	s19 =	simm.s32 $0xCC00  }
0xa5: {  	[tilespmem:s19], [sflag:$0x2] =	stream.indirect_vreg.gather [hbm4b:s4+s2], $0x80, v3, vm0, $0xb8;
	[tilespmem:$0x18400] =	vst v63  }
0xa6: {  	v3 =	vld [tilespmem:$0xD0];
	_ =	sdelay $0x4  }
0xa7: {  	v13 =	vshll.u32 v3, $0x1  }
0xa8: {  	v3 =	vand.u32 $0x7, v3;
	v4 =	vand.u32 $0xFFFFFFF0, v13  }
0xa9: {  	v3 =	vor.u32 v3, v4  }
0xaa: {  	v4 =	vperm.xlane v3, v0;
	_ =	sdelay $0x1  }
0xab: {  	v3 =	vperm.xlane v3, v2;
	v4 =	vadd.s32 v1, v4;
	_ =	sdelay $0x1  }
0xac: {  	v3 =	vadd.s32 v1, v3;
	_ =	sdelay $0x1  }
0xad: {  	s1 =	simm.s32 $0xD400  }
0xae: {  	[tilespmem:s1], [sflag:$0x2] =	stream.indirect_vreg.gather [hbm4b:s4+s2], $0x80, v4, vm0, $0xb8;
	[tilespmem:$0x18400] =	vst v63  }
0xaf: {  	s19 =	simm.s32 $0xDC00  }
0xb0: {  	[tilespmem:s19], [sflag:$0x2] =	stream.indirect_vreg.gather [hbm4b:s4+s2], $0x80, v3, vm0, $0xb8;
	[tilespmem:$0x18400] =	vst v63  }
0xb1: {  	v3 =	vld [tilespmem:$0xE0];
	_ =	sdelay $0x4  }
0xb2: {  	v14 =	vshll.u32 v3, $0x1  }
0xb3: {  	v3 =	vand.u32 $0x7, v3;
	v4 =	vand.u32 $0xFFFFFFF0, v14  }
0xb4: {  	v3 =	vor.u32 v3, v4  }
0xb5: {  	v4 =	vperm.xlane v3, v0;
	_ =	sdelay $0x1  }
0xb6: {  	v3 =	vperm.xlane v3, v2;
	v4 =	vadd.s32 v1, v4;
	_ =	sdelay $0x1  }
0xb7: {  	v3 =	vadd.s32 v1, v3;
	_ =	sdelay $0x1  }
0xb8: {  	s1 =	simm.s32 $0xE400  }
0xb9: {  	[tilespmem:s1], [sflag:$0x2] =	stream.indirect_vreg.gather [hbm4b:s4+s2], $0x80, v4, vm0, $0xb8;
	[tilespmem:$0x18400] =	vst v63  }
0xba: {  	s19 =	simm.s32 $0xEC00  }
0xbb: {  	[tilespmem:s19], [sflag:$0x2] =	stream.indirect_vreg.gather [hbm4b:s4+s2], $0x80, v3, vm0, $0xb8;
	[tilespmem:$0x18400] =	vst v63  }
0xbc: {  	v3 =	vld [tilespmem:$0xF0];
	_ =	sdelay $0x4  }
0xbd: {  	v15 =	vshll.u32 v3, $0x1  }
0xbe: {  	v3 =	vand.u32 $0x7, v3;
	v4 =	vand.u32 $0xFFFFFFF0, v15  }
0xbf: {  	v3 =	vor.u32 v3, v4  }
0xc0: {  	v4 =	vperm.xlane v3, v0;
	_ =	sdelay $0x1  }
0xc1: {  	v3 =	vperm.xlane v3, v2;
	v4 =	vadd.s32 v1, v4;
	_ =	sdelay $0x1  }
0xc2: {  	v3 =	vadd.s32 v1, v3;
	_ =	sdelay $0x1  }
0xc3: {  	s1 =	simm.s32 $0xF400  }
0xc4: {  	[tilespmem:s1], [sflag:$0x2] =	stream.indirect_vreg.gather [hbm4b:s4+s2], $0x80, v4, vm0, $0xb8;
	[tilespmem:$0x18400] =	vst v63  }
0xc5: {  	s19 =	simm.s32 $0xFC00  }
0xc6: {  	[tilespmem:s19], [sflag:$0x2] =	stream.indirect_vreg.gather [hbm4b:s4+s2], $0x80, v3, vm0, $0xb8;
	[tilespmem:$0x18400] =	vst v63  }
0xc7: {  	v3 =	vld [tilespmem:$0x100];
	_ =	sdelay $0x4  }
0xc8: {  	v16 =	vshll.u32 v3, $0x1  }
0xc9: {  	v3 =	vand.u32 $0x7, v3;
	v4 =	vand.u32 $0xFFFFFFF0, v16  }
0xca: {  	v3 =	vor.u32 v3, v4  }
0xcb: {  	v4 =	vperm.xlane v3, v0;
	_ =	sdelay $0x1  }
0xcc: {  	v3 =	vperm.xlane v3, v2;
	v4 =	vadd.s32 v1, v4;
	_ =	sdelay $0x1  }
0xcd: {  	v3 =	vadd.s32 v1, v3;
	_ =	sdelay $0x1  }
0xce: {  	s0 =	simm.s32 $0x10400  }
0xcf: {  	[tilespmem:s0], [sflag:$0x3] =	stream.indirect_vreg.gather [hbm4b:s4+s2], $0x80, v4, vm0, $0xb8;
	[tilespmem:$0x18400] =	vst v63  }
0xd0: {  	_ = 	snop  }
0xd1: {  	[tilespmem:s7], [sflag:$0x3] =	stream.indirect_vreg.gather [hbm4b:s4+s2], $0x80, v3, vm0, $0xb8;
	[tilespmem:$0x18400] =	vst v63  }
0xd2: {  	v3 =	vld [tilespmem:$0x110];
	_ =	sdelay $0x4  }
0xd3: {  	v17 =	vshll.u32 v3, $0x1  }
0xd4: {  	v3 =	vand.u32 $0x7, v3;
	v4 =	vand.u32 $0xFFFFFFF0, v17  }
0xd5: {  	v3 =	vor.u32 v3, v4  }
0xd6: {  	v4 =	vperm.xlane v3, v0;
	_ =	sdelay $0x1  }
0xd7: {  	v3 =	vperm.xlane v3, v2;
	v4 =	vadd.s32 v1, v4;
	_ =	sdelay $0x1  }
0xd8: {  	v3 =	vadd.s32 v1, v3;
	_ =	sdelay $0x2  }
0xd9: {  	[tilespmem:s10], [sflag:$0x3] =	stream.indirect_vreg.gather [hbm4b:s4+s2], $0x80, v4, vm0, $0xb8;
	[tilespmem:$0x18400] =	vst v63  }
0xda: {  	_ = 	snop  }
0xdb: {  	[tilespmem:s11], [sflag:$0x3] =	stream.indirect_vreg.gather [hbm4b:s4+s2], $0x80, v3, vm0, $0xb8;
	[tilespmem:$0x18400] =	vst v63  }
0xdc: {  	v3 =	vld [tilespmem:$0x120];
	_ =	sdelay $0x4  }
0xdd: {  	v18 =	vshll.u32 v3, $0x1  }
0xde: {  	v3 =	vand.u32 $0x7, v3;
	v4 =	vand.u32 $0xFFFFFFF0, v18  }
0xdf: {  	v3 =	vor.u32 v3, v4  }
0xe0: {  	v4 =	vperm.xlane v3, v0;
	_ =	sdelay $0x1  }
0xe1: {  	v3 =	vperm.xlane v3, v2;
	v4 =	vadd.s32 v1, v4;
	_ =	sdelay $0x1  }
0xe2: {  	v3 =	vadd.s32 v1, v3;
	_ =	sdelay $0x2  }
0xe3: {  	[tilespmem:s12], [sflag:$0x3] =	stream.indirect_vreg.gather [hbm4b:s4+s2], $0x80, v4, vm0, $0xb8;
	[tilespmem:$0x18400] =	vst v63  }
0xe4: {  	s1 =	simm.s32 $0x12C00  }
0xe5: {  	[tilespmem:s1], [sflag:$0x3] =	stream.indirect_vreg.gather [hbm4b:s4+s2], $0x80, v3, vm0, $0xb8;
	[tilespmem:$0x18400] =	vst v63  }
0xe6: {  	v3 =	vld [tilespmem:$0x130];
	_ =	sdelay $0x4  }
0xe7: {  	v19 =	vshll.u32 v3, $0x1  }
0xe8: {  	v3 =	vand.u32 $0x7, v3;
	v4 =	vand.u32 $0xFFFFFFF0, v19  }
0xe9: {  	v3 =	vor.u32 v3, v4  }
0xea: {  	v4 =	vperm.xlane v3, v0;
	_ =	sdelay $0x1  }
0xeb: {  	v3 =	vperm.xlane v3, v2;
	v4 =	vadd.s32 v1, v4;
	_ =	sdelay $0x1  }
0xec: {  	v3 =	vadd.s32 v1, v3;
	_ =	sdelay $0x2  }
0xed: {  	[tilespmem:s3], [sflag:$0x3] =	stream.indirect_vreg.gather [hbm4b:s4+s2], $0x80, v4, vm0, $0xb8;
	[tilespmem:$0x18400] =	vst v63  }
0xee: {  	_ = 	snop  }
0xef: {  	[tilespmem:s6], [sflag:$0x3] =	stream.indirect_vreg.gather [hbm4b:s4+s2], $0x80, v3, vm0, $0xb8;
	[tilespmem:$0x18400] =	vst v63  }
0xf0: {  	v3 =	vld [tilespmem:$0x140];
	_ =	sdelay $0x4  }
0xf1: {  	v20 =	vshll.u32 v3, $0x1  }
0xf2: {  	v3 =	vand.u32 $0x7, v3;
	v4 =	vand.u32 $0xFFFFFFF0, v20  }
0xf3: {  	v3 =	vor.u32 v3, v4  }
0xf4: {  	v4 =	vperm.xlane v3, v0;
	_ =	sdelay $0x1  }
0xf5: {  	v3 =	vperm.xlane v3, v2;
	v4 =	vadd.s32 v1, v4;
	_ =	sdelay $0x1  }
0xf6: {  	v3 =	vadd.s32 v1, v3;
	_ =	sdelay $0x2  }
0xf7: {  	[tilespmem:s8], [sflag:$0x3] =	stream.indirect_vreg.gather [hbm4b:s4+s2], $0x80, v4, vm0, $0xb8;
	[tilespmem:$0x18400] =	vst v63  }
0xf8: {  	_ = 	snop  }
0xf9: {  	[tilespmem:s9], [sflag:$0x3] =	stream.indirect_vreg.gather [hbm4b:s4+s2], $0x80, v3, vm0, $0xb8;
	[tilespmem:$0x18400] =	vst v63  }
0xfa: {  	v3 =	vld [tilespmem:$0x150];
	_ =	sdelay $0x4  }
0xfb: {  	v21 =	vshll.u32 v3, $0x1  }
0xfc: {  	v3 =	vand.u32 $0x7, v3;
	v4 =	vand.u32 $0xFFFFFFF0, v21  }
0xfd: {  	v3 =	vor.u32 v3, v4  }
0xfe: {  	v4 =	vperm.xlane v3, v0;
	_ =	sdelay $0x1  }
0xff: {  	v3 =	vperm.xlane v3, v2;
	v4 =	vadd.s32 v1, v4;
	_ =	sdelay $0x1  }
0x100: {  	v3 =	vadd.s32 v1, v3;
	_ =	sdelay $0x2  }
0x101: {  	[tilespmem:s20], [sflag:$0x3] =	stream.indirect_vreg.gather [hbm4b:s4+s2], $0x80, v4, vm0, $0xb8;
	[tilespmem:$0x18400] =	vst v63  }
0x102: {  	_ = 	snop  }
0x103: {  	[tilespmem:s21], [sflag:$0x3] =	stream.indirect_vreg.gather [hbm4b:s4+s2], $0x80, v3, vm0, $0xb8;
	[tilespmem:$0x18400] =	vst v63  }
0x104: {  	v3 =	vld [tilespmem:$0x160];
	_ =	sdelay $0x4  }
0x105: {  	v22 =	vshll.u32 v3, $0x1  }
0x106: {  	v3 =	vand.u32 $0x7, v3;
	v4 =	vand.u32 $0xFFFFFFF0, v22  }
0x107: {  	v3 =	vor.u32 v3, v4  }
0x108: {  	v4 =	vperm.xlane v3, v0;
	_ =	sdelay $0x1  }
0x109: {  	v3 =	vperm.xlane v3, v2;
	v4 =	vadd.s32 v1, v4;
	_ =	sdelay $0x1  }
0x10a: {  	v3 =	vadd.s32 v1, v3;
	_ =	sdelay $0x2  }
0x10b: {  	[tilespmem:s22], [sflag:$0x3] =	stream.indirect_vreg.gather [hbm4b:s4+s2], $0x80, v4, vm0, $0xb8;
	[tilespmem:$0x18400] =	vst v63  }
0x10c: {  	_ = 	snop  }
0x10d: {  	[tilespmem:s24], [sflag:$0x3] =	stream.indirect_vreg.gather [hbm4b:s4+s2], $0x80, v3, vm0, $0xb8;
	[tilespmem:$0x18400] =	vst v63  }
0x10e: {  	v3 =	vld [tilespmem:$0x170];
	_ =	sdelay $0x4  }
0x10f: {  	v23 =	vshll.u32 v3, $0x1  }
0x110: {  	v3 =	vand.u32 $0x7, v3;
	v4 =	vand.u32 $0xFFFFFFF0, v23  }
0x111: {  	v3 =	vor.u32 v3, v4  }
0x112: {  	v4 =	vperm.xlane v3, v0;
	_ =	sdelay $0x1  }
0x113: {  	v3 =	vperm.xlane v3, v2;
	v4 =	vadd.s32 v1, v4;
	_ =	sdelay $0x1  }
0x114: {  	v3 =	vadd.s32 v1, v3;
	_ =	sdelay $0x2  }
0x115: {  	[tilespmem:s25], [sflag:$0x3] =	stream.indirect_vreg.gather [hbm4b:s4+s2], $0x80, v4, vm0, $0xb8;
	[tilespmem:$0x18400] =	vst v63  }
0x116: {  	_ = 	snop  }
0x117: {  	[tilespmem:s26], [sflag:$0x3] =	stream.indirect_vreg.gather [hbm4b:s4+s2], $0x80, v3, vm0, $0xb8;
	[tilespmem:$0x18400] =	vst v63  }
0x118: {  	_ =	swait.ge [sflag:s13], $0x8000  }
0x119: {  	[sflag:s13] =	ssyncset.done $0x0  }
0x11a: {  	s19 =	rddreg [dreg:$0xb];
	[sflag:s13] =	ssyncadd.s32 $0xFFFF8000  }
0x11b: {  	[hbm4b:s19+s2] =	stream.linear.scatter [tilespmem:s28], [sflag:$0x4], $0x8000, $0x38;
	[tilespmem:$0x18400] =	vst v63  }
0x11c: {  	_ =	swait.ge [sflag:s14], $0x8000  }
0x11d: {  	[sflag:s14] =	ssyncset.done $0x0  }
0x11e: {  	[sflag:s14] =	ssyncadd.s32 $0xFFFF8000  }
0x11f: {  	v3 =	vld [tilespmem:$0x180];
	_ =	sdelay $0x4  }
0x120: {  	v24 =	vshll.u32 v3, $0x1  }
0x121: {  	v3 =	vand.u32 $0x7, v3;
	v4 =	vand.u32 $0xFFFFFFF0, v24  }
0x122: {  	v3 =	vor.u32 v3, v4  }
0x123: {  	v4 =	vperm.xlane v3, v0;
	_ =	sdelay $0x1  }
0x124: {  	v3 =	vperm.xlane v3, v2;
	v4 =	vadd.s32 v1, v4;
	_ =	sdelay $0x1  }
0x125: {  	v3 =	vadd.s32 v1, v3;
	_ =	sdelay $0x2  }
0x126: {  	[tilespmem:s28], [sflag:$0x1] =	stream.indirect_vreg.gather [hbm4b:s4+s2], $0x80, v4, vm0, $0xb8;
	[tilespmem:$0x18400] =	vst v63  }
0x127: {  	s19 =	simm.s32 $0xC00  }
0x128: {  	[tilespmem:s19], [sflag:$0x1] =	stream.indirect_vreg.gather [hbm4b:s4+s2], $0x80, v3, vm0, $0xb8;
	[tilespmem:$0x18400] =	vst v63  }
0x129: {  	v3 =	vld [tilespmem:$0x190];
	_ =	sdelay $0x4  }
0x12a: {  	v25 =	vshll.u32 v3, $0x1  }
0x12b: {  	v3 =	vand.u32 $0x7, v3;
	v4 =	vand.u32 $0xFFFFFFF0, v25  }
0x12c: {  	v3 =	vor.u32 v3, v4  }
0x12d: {  	v4 =	vperm.xlane v3, v0;
	_ =	sdelay $0x1  }
0x12e: {  	v3 =	vperm.xlane v3, v2;
	v4 =	vadd.s32 v1, v4;
	_ =	sdelay $0x1  }
0x12f: {  	v3 =	vadd.s32 v1, v3;
	_ =	sdelay $0x1  }
0x130: {  	s19 =	simm.s32 $0x1400  }
0x131: {  	[tilespmem:s19], [sflag:$0x1] =	stream.indirect_vreg.gather [hbm4b:s4+s2], $0x80, v4, vm0, $0xb8;
	[tilespmem:$0x18400] =	vst v63  }
0x132: {  	s19 =	simm.s32 $0x1C00  }
0x133: {  	[tilespmem:s19], [sflag:$0x1] =	stream.indirect_vreg.gather [hbm4b:s4+s2], $0x80, v3, vm0, $0xb8;
	[tilespmem:$0x18400] =	vst v63  }
0x134: {  	v3 =	vld [tilespmem:$0x1A0];
	_ =	sdelay $0x4  }
0x135: {  	v26 =	vshll.u32 v3, $0x1  }
0x136: {  	v3 =	vand.u32 $0x7, v3;
	v4 =	vand.u32 $0xFFFFFFF0, v26  }
0x137: {  	v3 =	vor.u32 v3, v4  }
0x138: {  	v4 =	vperm.xlane v3, v0;
	_ =	sdelay $0x1  }
0x139: {  	v3 =	vperm.xlane v3, v2;
	v4 =	vadd.s32 v1, v4;
	_ =	sdelay $0x1  }
0x13a: {  	v3 =	vadd.s32 v1, v3;
	_ =	sdelay $0x1  }
0x13b: {  	s19 =	simm.s32 $0x2400  }
0x13c: {  	[tilespmem:s19], [sflag:$0x1] =	stream.indirect_vreg.gather [hbm4b:s4+s2], $0x80, v4, vm0, $0xb8;
	[tilespmem:$0x18400] =	vst v63  }
0x13d: {  	s19 =	simm.s32 $0x2C00  }
0x13e: {  	[tilespmem:s19], [sflag:$0x1] =	stream.indirect_vreg.gather [hbm4b:s4+s2], $0x80, v3, vm0, $0xb8;
	[tilespmem:$0x18400] =	vst v63  }
0x13f: {  	v3 =	vld [tilespmem:$0x1B0];
	_ =	sdelay $0x4  }
0x140: {  	v27 =	vshll.u32 v3, $0x1  }
0x141: {  	v3 =	vand.u32 $0x7, v3;
	v4 =	vand.u32 $0xFFFFFFF0, v27  }
0x142: {  	v3 =	vor.u32 v3, v4  }
0x143: {  	v4 =	vperm.xlane v3, v0;
	_ =	sdelay $0x1  }
0x144: {  	v3 =	vperm.xlane v3, v2;
	v4 =	vadd.s32 v1, v4;
	_ =	sdelay $0x1  }
0x145: {  	v3 =	vadd.s32 v1, v3;
	_ =	sdelay $0x1  }
0x146: {  	s19 =	simm.s32 $0x3400  }
0x147: {  	[tilespmem:s19], [sflag:$0x1] =	stream.indirect_vreg.gather [hbm4b:s4+s2], $0x80, v4, vm0, $0xb8;
	[tilespmem:$0x18400] =	vst v63  }
0x148: {  	s19 =	simm.s32 $0x3C00  }
0x149: {  	[tilespmem:s19], [sflag:$0x1] =	stream.indirect_vreg.gather [hbm4b:s4+s2], $0x80, v3, vm0, $0xb8;
	[tilespmem:$0x18400] =	vst v63  }
0x14a: {  	v3 =	vld [tilespmem:$0x1C0];
	_ =	sdelay $0x4  }
0x14b: {  	v28 =	vshll.u32 v3, $0x1  }
0x14c: {  	v3 =	vand.u32 $0x7, v3;
	v4 =	vand.u32 $0xFFFFFFF0, v28  }
0x14d: {  	v3 =	vor.u32 v3, v4  }
0x14e: {  	v4 =	vperm.xlane v3, v0;
	_ =	sdelay $0x1  }
0x14f: {  	v3 =	vperm.xlane v3, v2;
	v4 =	vadd.s32 v1, v4;
	_ =	sdelay $0x1  }
0x150: {  	v3 =	vadd.s32 v1, v3;
	_ =	sdelay $0x2  }
0x151: {  	[tilespmem:s29], [sflag:$0x1] =	stream.indirect_vreg.gather [hbm4b:s4+s2], $0x80, v4, vm0, $0xb8;
	[tilespmem:$0x18400] =	vst v63  }
0x152: {  	_ = 	snop  }
0x153: {  	[tilespmem:s30], [sflag:$0x1] =	stream.indirect_vreg.gather [hbm4b:s4+s2], $0x80, v3, vm0, $0xb8;
	[tilespmem:$0x18400] =	vst v63  }
0x154: {  	v3 =	vld [tilespmem:$0x1D0];
	_ =	sdelay $0x4  }
0x155: {  	v29 =	vshll.u32 v3, $0x1  }
0x156: {  	v3 =	vand.u32 $0x7, v3;
	v4 =	vand.u32 $0xFFFFFFF0, v29  }
0x157: {  	v3 =	vor.u32 v3, v4  }
0x158: {  	v4 =	vperm.xlane v3, v0;
	_ =	sdelay $0x1  }
0x159: {  	v3 =	vperm.xlane v3, v2;
	v4 =	vadd.s32 v1, v4;
	_ =	sdelay $0x1  }
0x15a: {  	v3 =	vadd.s32 v1, v3;
	_ =	sdelay $0x2  }
0x15b: {  	[tilespmem:s31], [sflag:$0x1] =	stream.indirect_vreg.gather [hbm4b:s4+s2], $0x80, v4, vm0, $0xb8;
	[tilespmem:$0x18400] =	vst v63  }
0x15c: {  	s19 =	simm.s32 $0x5C00  }
0x15d: {  	[tilespmem:s19], [sflag:$0x1] =	stream.indirect_vreg.gather [hbm4b:s4+s2], $0x80, v3, vm0, $0xb8;
	[tilespmem:$0x18400] =	vst v63  }
0x15e: {  	v3 =	vld [tilespmem:$0x1E0];
	_ =	sdelay $0x4  }
0x15f: {  	v30 =	vshll.u32 v3, $0x1  }
0x160: {  	v3 =	vand.u32 $0x7, v3;
	v4 =	vand.u32 $0xFFFFFFF0, v30  }
0x161: {  	v3 =	vor.u32 v3, v4  }
0x162: {  	v4 =	vperm.xlane v3, v0;
	_ =	sdelay $0x1  }
0x163: {  	v3 =	vperm.xlane v3, v2;
	v4 =	vadd.s32 v1, v4;
	_ =	sdelay $0x1  }
0x164: {  	v3 =	vadd.s32 v1, v3;
	_ =	sdelay $0x1  }
0x165: {  	s19 =	simm.s32 $0x6400  }
0x166: {  	[tilespmem:s19], [sflag:$0x1] =	stream.indirect_vreg.gather [hbm4b:s4+s2], $0x80, v4, vm0, $0xb8;
	[tilespmem:$0x18400] =	vst v63  }
0x167: {  	s19 =	simm.s32 $0x6C00  }
0x168: {  	[tilespmem:s19], [sflag:$0x1] =	stream.indirect_vreg.gather [hbm4b:s4+s2], $0x80, v3, vm0, $0xb8;
	[tilespmem:$0x18400] =	vst v63  }
0x169: {  	v3 =	vld [tilespmem:$0x1F0];
	_ =	sdelay $0x4  }
0x16a: {  	v31 =	vshll.u32 v3, $0x1  }
0x16b: {  	v3 =	vand.u32 $0x7, v3;
	v4 =	vand.u32 $0xFFFFFFF0, v31  }
0x16c: {  	v3 =	vor.u32 v3, v4  }
0x16d: {  	v4 =	vperm.xlane v3, v0;
	_ =	sdelay $0x1  }
0x16e: {  	v3 =	vperm.xlane v3, v2;
	v4 =	vadd.s32 v1, v4;
	_ =	sdelay $0x1  }
0x16f: {  	v3 =	vadd.s32 v1, v3;
	_ =	sdelay $0x1  }
0x170: {  	s19 =	simm.s32 $0x7400  }
0x171: {  	[tilespmem:s19], [sflag:$0x1] =	stream.indirect_vreg.gather [hbm4b:s4+s2], $0x80, v4, vm0, $0xb8;
	[tilespmem:$0x18400] =	vst v63  }
0x172: {  	s19 =	simm.s32 $0x7C00  }
0x173: {  	[tilespmem:s19], [sflag:$0x1] =	stream.indirect_vreg.gather [hbm4b:s4+s2], $0x80, v3, vm0, $0xb8;
	[tilespmem:$0x18400] =	vst v63  }
0x174: {  	_ =	swait.ge [sflag:s15], $0x8000  }
0x175: {  	[sflag:s15] =	ssyncset.done $0x0  }
0x176: {  	s19 =	rddreg [dreg:$0x4];
	[sflag:s15] =	ssyncadd.s32 $0xFFFF8000  }
0x177: {  	[hbm4b:s19+s2] =	stream.linear.scatter [tilespmem:s23], [sflag:$0x5], $0x8000, $0x38;
	[tilespmem:$0x18400] =	vst v63  }
0x178: {  	_ =	swait.ge [sflag:s16], $0x8000  }
0x179: {  	[sflag:s16] =	ssyncset.done $0x0  }
0x17a: {  	[sflag:s16] =	ssyncadd.s32 $0xFFFF8000  }
0x17b: {  	v3 =	vld [tilespmem:$0x200];
	_ =	sdelay $0x4  }
0x17c: {  	v32 =	vshll.u32 v3, $0x1  }
0x17d: {  	v3 =	vand.u32 $0x7, v3;
	v4 =	vand.u32 $0xFFFFFFF0, v32  }
0x17e: {  	v3 =	vor.u32 v3, v4  }
0x17f: {  	v4 =	vperm.xlane v3, v0;
	_ =	sdelay $0x1  }
0x180: {  	v3 =	vperm.xlane v3, v2;
	v4 =	vadd.s32 v1, v4;
	_ =	sdelay $0x1  }
0x181: {  	v3 =	vadd.s32 v1, v3;
	_ =	sdelay $0x2  }
0x182: {  	[tilespmem:s23], [sflag:$0x2] =	stream.indirect_vreg.gather [hbm4b:s4+s2], $0x80, v4, vm0, $0xb8;
	[tilespmem:$0x18400] =	vst v63  }
0x183: {  	s19 =	simm.s32 $0x8C00  }
0x184: {  	[tilespmem:s19], [sflag:$0x2] =	stream.indirect_vreg.gather [hbm4b:s4+s2], $0x80, v3, vm0, $0xb8;
	[tilespmem:$0x18400] =	vst v63  }
0x185: {  	v3 =	vld [tilespmem:$0x210];
	_ =	sdelay $0x4  }
0x186: {  	v33 =	vshll.u32 v3, $0x1  }
0x187: {  	v3 =	vand.u32 $0x7, v3;
	v4 =	vand.u32 $0xFFFFFFF0, v33  }
0x188: {  	v3 =	vor.u32 v3, v4  }
0x189: {  	v4 =	vperm.xlane v3, v0;
	_ =	sdelay $0x1  }
0x18a: {  	v3 =	vperm.xlane v3, v2;
	v4 =	vadd.s32 v1, v4;
	_ =	sdelay $0x1  }
0x18b: {  	v3 =	vadd.s32 v1, v3;
	_ =	sdelay $0x1  }
0x18c: {  	s19 =	simm.s32 $0x9400  }
0x18d: {  	[tilespmem:s19], [sflag:$0x2] =	stream.indirect_vreg.gather [hbm4b:s4+s2], $0x80, v4, vm0, $0xb8;
	[tilespmem:$0x18400] =	vst v63  }
0x18e: {  	s19 =	simm.s32 $0x9C00  }
0x18f: {  	[tilespmem:s19], [sflag:$0x2] =	stream.indirect_vreg.gather [hbm4b:s4+s2], $0x80, v3, vm0, $0xb8;
	[tilespmem:$0x18400] =	vst v63  }
0x190: {  	v3 =	vld [tilespmem:$0x220];
	_ =	sdelay $0x4  }
0x191: {  	v34 =	vshll.u32 v3, $0x1  }
0x192: {  	v3 =	vand.u32 $0x7, v3;
	v4 =	vand.u32 $0xFFFFFFF0, v34  }
0x193: {  	v3 =	vor.u32 v3, v4  }
0x194: {  	v4 =	vperm.xlane v3, v0;
	_ =	sdelay $0x1  }
0x195: {  	v3 =	vperm.xlane v3, v2;
	v4 =	vadd.s32 v1, v4;
	_ =	sdelay $0x1  }
0x196: {  	v3 =	vadd.s32 v1, v3;
	_ =	sdelay $0x1  }
0x197: {  	s19 =	simm.s32 $0xA400  }
0x198: {  	[tilespmem:s19], [sflag:$0x2] =	stream.indirect_vreg.gather [hbm4b:s4+s2], $0x80, v4, vm0, $0xb8;
	[tilespmem:$0x18400] =	vst v63  }
0x199: {  	s19 =	simm.s32 $0xAC00  }
0x19a: {  	[tilespmem:s19], [sflag:$0x2] =	stream.indirect_vreg.gather [hbm4b:s4+s2], $0x80, v3, vm0, $0xb8;
	[tilespmem:$0x18400] =	vst v63  }
0x19b: {  	v3 =	vld [tilespmem:$0x230];
	_ =	sdelay $0x4  }
0x19c: {  	v35 =	vshll.u32 v3, $0x1  }
0x19d: {  	v3 =	vand.u32 $0x7, v3;
	v4 =	vand.u32 $0xFFFFFFF0, v35  }
0x19e: {  	v3 =	vor.u32 v3, v4  }
0x19f: {  	v4 =	vperm.xlane v3, v0;
	_ =	sdelay $0x1  }
0x1a0: {  	v3 =	vperm.xlane v3, v2;
	v4 =	vadd.s32 v1, v4;
	_ =	sdelay $0x1  }
0x1a1: {  	v3 =	vadd.s32 v1, v3;
	_ =	sdelay $0x1  }
0x1a2: {  	s19 =	simm.s32 $0xB400  }
0x1a3: {  	[tilespmem:s19], [sflag:$0x2] =	stream.indirect_vreg.gather [hbm4b:s4+s2], $0x80, v4, vm0, $0xb8;
	[tilespmem:$0x18400] =	vst v63  }
0x1a4: {  	s19 =	simm.s32 $0xBC00  }
0x1a5: {  	[tilespmem:s19], [sflag:$0x2] =	stream.indirect_vreg.gather [hbm4b:s4+s2], $0x80, v3, vm0, $0xb8;
	[tilespmem:$0x18400] =	vst v63  }
0x1a6: {  	v3 =	vld [tilespmem:$0x240];
	_ =	sdelay $0x4  }
0x1a7: {  	v36 =	vshll.u32 v3, $0x1  }
0x1a8: {  	v3 =	vand.u32 $0x7, v3;
	v4 =	vand.u32 $0xFFFFFFF0, v36  }
0x1a9: {  	v3 =	vor.u32 v3, v4  }
0x1aa: {  	v4 =	vperm.xlane v3, v0;
	_ =	sdelay $0x1  }
0x1ab: {  	v3 =	vperm.xlane v3, v2;
	v4 =	vadd.s32 v1, v4;
	_ =	sdelay $0x1  }
0x1ac: {  	v3 =	vadd.s32 v1, v3;
	_ =	sdelay $0x1  }
0x1ad: {  	s19 =	simm.s32 $0xC400  }
0x1ae: {  	[tilespmem:s19], [sflag:$0x2] =	stream.indirect_vreg.gather [hbm4b:s4+s2], $0x80, v4, vm0, $0xb8;
	[tilespmem:$0x18400] =	vst v63  }
0x1af: {  	s19 =	simm.s32 $0xCC00  }
0x1b0: {  	[tilespmem:s19], [sflag:$0x2] =	stream.indirect_vreg.gather [hbm4b:s4+s2], $0x80, v3, vm0, $0xb8;
	[tilespmem:$0x18400] =	vst v63  }
0x1b1: {  	v3 =	vld [tilespmem:$0x250];
	_ =	sdelay $0x4  }
0x1b2: {  	v37 =	vshll.u32 v3, $0x1  }
0x1b3: {  	v3 =	vand.u32 $0x7, v3;
	v4 =	vand.u32 $0xFFFFFFF0, v37  }
0x1b4: {  	v3 =	vor.u32 v3, v4  }
0x1b5: {  	v4 =	vperm.xlane v3, v0;
	_ =	sdelay $0x1  }
0x1b6: {  	v3 =	vperm.xlane v3, v2;
	v4 =	vadd.s32 v1, v4;
	_ =	sdelay $0x1  }
0x1b7: {  	v3 =	vadd.s32 v1, v3;
	_ =	sdelay $0x1  }
0x1b8: {  	s19 =	simm.s32 $0xD400  }
0x1b9: {  	[tilespmem:s19], [sflag:$0x2] =	stream.indirect_vreg.gather [hbm4b:s4+s2], $0x80, v4, vm0, $0xb8;
	[tilespmem:$0x18400] =	vst v63  }
0x1ba: {  	s19 =	simm.s32 $0xDC00  }
0x1bb: {  	[tilespmem:s19], [sflag:$0x2] =	stream.indirect_vreg.gather [hbm4b:s4+s2], $0x80, v3, vm0, $0xb8;
	[tilespmem:$0x18400] =	vst v63  }
0x1bc: {  	v3 =	vld [tilespmem:$0x260];
	_ =	sdelay $0x4  }
0x1bd: {  	v38 =	vshll.u32 v3, $0x1  }
0x1be: {  	v3 =	vand.u32 $0x7, v3;
	v4 =	vand.u32 $0xFFFFFFF0, v38  }
0x1bf: {  	v3 =	vor.u32 v3, v4  }
0x1c0: {  	v4 =	vperm.xlane v3, v0;
	_ =	sdelay $0x1  }
0x1c1: {  	v3 =	vperm.xlane v3, v2;
	v4 =	vadd.s32 v1, v4;
	_ =	sdelay $0x1  }
0x1c2: {  	v3 =	vadd.s32 v1, v3;
	_ =	sdelay $0x1  }
0x1c3: {  	s19 =	simm.s32 $0xE400  }
0x1c4: {  	[tilespmem:s19], [sflag:$0x2] =	stream.indirect_vreg.gather [hbm4b:s4+s2], $0x80, v4, vm0, $0xb8;
	[tilespmem:$0x18400] =	vst v63  }
0x1c5: {  	s19 =	simm.s32 $0xEC00  }
0x1c6: {  	[tilespmem:s19], [sflag:$0x2] =	stream.indirect_vreg.gather [hbm4b:s4+s2], $0x80, v3, vm0, $0xb8;
	[tilespmem:$0x18400] =	vst v63  }
0x1c7: {  	v3 =	vld [tilespmem:$0x270];
	_ =	sdelay $0x4  }
0x1c8: {  	v39 =	vshll.u32 v3, $0x1  }
0x1c9: {  	v3 =	vand.u32 $0x7, v3;
	v4 =	vand.u32 $0xFFFFFFF0, v39  }
0x1ca: {  	v3 =	vor.u32 v3, v4  }
0x1cb: {  	v4 =	vperm.xlane v3, v0;
	_ =	sdelay $0x1  }
0x1cc: {  	v3 =	vperm.xlane v3, v2;
	v4 =	vadd.s32 v1, v4;
	_ =	sdelay $0x1  }
0x1cd: {  	v3 =	vadd.s32 v1, v3;
	_ =	sdelay $0x1  }
0x1ce: {  	s19 =	simm.s32 $0xF400  }
0x1cf: {  	[tilespmem:s19], [sflag:$0x2] =	stream.indirect_vreg.gather [hbm4b:s4+s2], $0x80, v4, vm0, $0xb8;
	[tilespmem:$0x18400] =	vst v63  }
0x1d0: {  	s19 =	simm.s32 $0xFC00  }
0x1d1: {  	[tilespmem:s19], [sflag:$0x2] =	stream.indirect_vreg.gather [hbm4b:s4+s2], $0x80, v3, vm0, $0xb8;
	[tilespmem:$0x18400] =	vst v63  }
0x1d2: {  	_ =	swait.ge [sflag:s17], $0x8000  }
0x1d3: {  	[sflag:s17] =	ssyncset.done $0x0  }
0x1d4: {  	s19 =	rddreg [dreg:$0x5];
	[sflag:s17] =	ssyncadd.s32 $0xFFFF8000  }
0x1d5: {  	[hbm4b:s19+s2] =	stream.linear.scatter [tilespmem:s0], [sflag:$0x6], $0x8000, $0x38;
	[tilespmem:$0x18400] =	vst v63  }
0x1d6: {  	_ =	swait.ge [sflag:s18], $0x8000  }
0x1d7: {  	[sflag:s18] =	ssyncset.done $0x0  }
0x1d8: {  	[sflag:s18] =	ssyncadd.s32 $0xFFFF8000  }
0x1d9: {  	v3 =	vld [tilespmem:$0x280];
	_ =	sdelay $0x4  }
0x1da: {  	v40 =	vshll.u32 v3, $0x1  }
0x1db: {  	v3 =	vand.u32 $0x7, v3;
	v4 =	vand.u32 $0xFFFFFFF0, v40  }
0x1dc: {  	v3 =	vor.u32 v3, v4  }
0x1dd: {  	v4 =	vperm.xlane v3, v0;
	_ =	sdelay $0x1  }
0x1de: {  	v3 =	vperm.xlane v3, v2;
	v4 =	vadd.s32 v1, v4;
	_ =	sdelay $0x1  }
0x1df: {  	v3 =	vadd.s32 v1, v3;
	_ =	sdelay $0x2  }
0x1e0: {  	[tilespmem:s0], [sflag:$0x3] =	stream.indirect_vreg.gather [hbm4b:s4+s2], $0x80, v4, vm0, $0xb8;
	[tilespmem:$0x18400] =	vst v63  }
0x1e1: {  	_ = 	snop  }
0x1e2: {  	[tilespmem:s7], [sflag:$0x3] =	stream.indirect_vreg.gather [hbm4b:s4+s2], $0x80, v3, vm0, $0xb8;
	[tilespmem:$0x18400] =	vst v63  }
0x1e3: {  	v3 =	vld [tilespmem:$0x290];
	_ =	sdelay $0x4  }
0x1e4: {  	v41 =	vshll.u32 v3, $0x1  }
0x1e5: {  	v3 =	vand.u32 $0x7, v3;
	v4 =	vand.u32 $0xFFFFFFF0, v41  }
0x1e6: {  	v3 =	vor.u32 v3, v4  }
0x1e7: {  	v4 =	vperm.xlane v3, v0;
	_ =	sdelay $0x1  }
0x1e8: {  	v3 =	vperm.xlane v3, v2;
	v4 =	vadd.s32 v1, v4;
	_ =	sdelay $0x1  }
0x1e9: {  	v3 =	vadd.s32 v1, v3;
	_ =	sdelay $0x2  }
0x1ea: {  	[tilespmem:s10], [sflag:$0x3] =	stream.indirect_vreg.gather [hbm4b:s4+s2], $0x80, v4, vm0, $0xb8;
	[tilespmem:$0x18400] =	vst v63  }
0x1eb: {  	_ = 	snop  }
0x1ec: {  	[tilespmem:s11], [sflag:$0x3] =	stream.indirect_vreg.gather [hbm4b:s4+s2], $0x80, v3, vm0, $0xb8;
	[tilespmem:$0x18400] =	vst v63  }
0x1ed: {  	v3 =	vld [tilespmem:$0x2A0];
	_ =	sdelay $0x4  }
0x1ee: {  	v42 =	vshll.u32 v3, $0x1  }
0x1ef: {  	v3 =	vand.u32 $0x7, v3;
	v4 =	vand.u32 $0xFFFFFFF0, v42  }
0x1f0: {  	v3 =	vor.u32 v3, v4  }
0x1f1: {  	v4 =	vperm.xlane v3, v0;
	_ =	sdelay $0x1  }
0x1f2: {  	v3 =	vperm.xlane v3, v2;
	v4 =	vadd.s32 v1, v4;
	_ =	sdelay $0x1  }
0x1f3: {  	v3 =	vadd.s32 v1, v3;
	_ =	sdelay $0x2  }
0x1f4: {  	[tilespmem:s12], [sflag:$0x3] =	stream.indirect_vreg.gather [hbm4b:s4+s2], $0x80, v4, vm0, $0xb8;
	[tilespmem:$0x18400] =	vst v63  }
0x1f5: {  	_ = 	snop  }
0x1f6: {  	[tilespmem:s1], [sflag:$0x3] =	stream.indirect_vreg.gather [hbm4b:s4+s2], $0x80, v3, vm0, $0xb8;
	[tilespmem:$0x18400] =	vst v63  }
0x1f7: {  	v3 =	vld [tilespmem:$0x2B0];
	_ =	sdelay $0x4  }
0x1f8: {  	v43 =	vshll.u32 v3, $0x1  }
0x1f9: {  	v3 =	vand.u32 $0x7, v3;
	v4 =	vand.u32 $0xFFFFFFF0, v43  }
0x1fa: {  	v3 =	vor.u32 v3, v4  }
0x1fb: {  	v4 =	vperm.xlane v3, v0;
	_ =	sdelay $0x1  }
0x1fc: {  	v3 =	vperm.xlane v3, v2;
	v4 =	vadd.s32 v1, v4;
	_ =	sdelay $0x1  }
0x1fd: {  	v3 =	vadd.s32 v1, v3;
	_ =	sdelay $0x2  }
0x1fe: {  	[tilespmem:s3], [sflag:$0x3] =	stream.indirect_vreg.gather [hbm4b:s4+s2], $0x80, v4, vm0, $0xb8;
	[tilespmem:$0x18400] =	vst v63  }
0x1ff: {  	_ = 	snop  }
0x200: {  	[tilespmem:s6], [sflag:$0x3] =	stream.indirect_vreg.gather [hbm4b:s4+s2], $0x80, v3, vm0, $0xb8;
	[tilespmem:$0x18400] =	vst v63  }
0x201: {  	v3 =	vld [tilespmem:$0x2C0];
	_ =	sdelay $0x4  }
0x202: {  	v44 =	vshll.u32 v3, $0x1  }
0x203: {  	v3 =	vand.u32 $0x7, v3;
	v4 =	vand.u32 $0xFFFFFFF0, v44  }
0x204: {  	v3 =	vor.u32 v3, v4  }
0x205: {  	v4 =	vperm.xlane v3, v0;
	_ =	sdelay $0x1  }
0x206: {  	v3 =	vperm.xlane v3, v2;
	v4 =	vadd.s32 v1, v4;
	_ =	sdelay $0x1  }
0x207: {  	v3 =	vadd.s32 v1, v3;
	_ =	sdelay $0x2  }
0x208: {  	[tilespmem:s8], [sflag:$0x3] =	stream.indirect_vreg.gather [hbm4b:s4+s2], $0x80, v4, vm0, $0xb8;
	[tilespmem:$0x18400] =	vst v63  }
0x209: {  	_ = 	snop  }
0x20a: {  	[tilespmem:s9], [sflag:$0x3] =	stream.indirect_vreg.gather [hbm4b:s4+s2], $0x80, v3, vm0, $0xb8;
	[tilespmem:$0x18400] =	vst v63  }
0x20b: {  	v3 =	vld [tilespmem:$0x2D0];
	_ =	sdelay $0x4  }
0x20c: {  	v45 =	vshll.u32 v3, $0x1  }
0x20d: {  	v3 =	vand.u32 $0x7, v3;
	v4 =	vand.u32 $0xFFFFFFF0, v45  }
0x20e: {  	v3 =	vor.u32 v3, v4  }
0x20f: {  	v4 =	vperm.xlane v3, v0;
	_ =	sdelay $0x1  }
0x210: {  	v3 =	vperm.xlane v3, v2;
	v4 =	vadd.s32 v1, v4;
	_ =	sdelay $0x1  }
0x211: {  	v3 =	vadd.s32 v1, v3;
	_ =	sdelay $0x2  }
0x212: {  	[tilespmem:s20], [sflag:$0x3] =	stream.indirect_vreg.gather [hbm4b:s4+s2], $0x80, v4, vm0, $0xb8;
	[tilespmem:$0x18400] =	vst v63  }
0x213: {  	_ = 	snop  }
0x214: {  	[tilespmem:s21], [sflag:$0x3] =	stream.indirect_vreg.gather [hbm4b:s4+s2], $0x80, v3, vm0, $0xb8;
	[tilespmem:$0x18400] =	vst v63  }
0x215: {  	v3 =	vld [tilespmem:$0x2E0];
	_ =	sdelay $0x4  }
0x216: {  	v46 =	vshll.u32 v3, $0x1  }
0x217: {  	v3 =	vand.u32 $0x7, v3;
	v4 =	vand.u32 $0xFFFFFFF0, v46  }
0x218: {  	v3 =	vor.u32 v3, v4  }
0x219: {  	v4 =	vperm.xlane v3, v0;
	_ =	sdelay $0x1  }
0x21a: {  	v3 =	vperm.xlane v3, v2;
	v4 =	vadd.s32 v1, v4;
	_ =	sdelay $0x1  }
0x21b: {  	v3 =	vadd.s32 v1, v3;
	_ =	sdelay $0x2  }
0x21c: {  	[tilespmem:s22], [sflag:$0x3] =	stream.indirect_vreg.gather [hbm4b:s4+s2], $0x80, v4, vm0, $0xb8;
	[tilespmem:$0x18400] =	vst v63  }
0x21d: {  	_ = 	snop  }
0x21e: {  	[tilespmem:s24], [sflag:$0x3] =	stream.indirect_vreg.gather [hbm4b:s4+s2], $0x80, v3, vm0, $0xb8;
	[tilespmem:$0x18400] =	vst v63  }
0x21f: {  	v3 =	vld [tilespmem:$0x2F0];
	_ =	sdelay $0x4  }
0x220: {  	v47 =	vshll.u32 v3, $0x1  }
0x221: {  	v3 =	vand.u32 $0x7, v3;
	v4 =	vand.u32 $0xFFFFFFF0, v47  }
0x222: {  	v3 =	vor.u32 v3, v4  }
0x223: {  	v4 =	vperm.xlane v3, v0;
	_ =	sdelay $0x1  }
0x224: {  	v3 =	vperm.xlane v3, v2;
	v4 =	vadd.s32 v1, v4;
	_ =	sdelay $0x1  }
0x225: {  	v3 =	vadd.s32 v1, v3;
	_ =	sdelay $0x2  }
0x226: {  	[tilespmem:s25], [sflag:$0x3] =	stream.indirect_vreg.gather [hbm4b:s4+s2], $0x80, v4, vm0, $0xb8;
	[tilespmem:$0x18400] =	vst v63  }
0x227: {  	_ = 	snop  }
0x228: {  	[tilespmem:s26], [sflag:$0x3] =	stream.indirect_vreg.gather [hbm4b:s4+s2], $0x80, v3, vm0, $0xb8;
	[tilespmem:$0x18400] =	vst v63  }
0x229: {  	_ =	swait.ge [sflag:s13], $0x8000  }
0x22a: {  	[sflag:s13] =	ssyncset.done $0x0  }
0x22b: {  	s1 =	rddreg [dreg:$0x6];
	[sflag:s13] =	ssyncadd.s32 $0xFFFF8000  }
0x22c: {  	[hbm4b:s1+s2] =	stream.linear.scatter [tilespmem:s28], [sflag:$0x4], $0x8000, $0x38;
	[tilespmem:$0x18400] =	vst v63  }
0x22d: {  	_ =	swait.ge [sflag:s14], $0x8000  }
0x22e: {  	[sflag:s14] =	ssyncset.done $0x0  }
0x22f: {  	[sflag:s14] =	ssyncadd.s32 $0xFFFF8000  }
0x230: {  	v3 =	vld [tilespmem:$0x300];
	_ =	sdelay $0x4  }
0x231: {  	v48 =	vshll.u32 v3, $0x1  }
0x232: {  	v3 =	vand.u32 $0x7, v3;
	v4 =	vand.u32 $0xFFFFFFF0, v48  }
0x233: {  	v3 =	vor.u32 v3, v4  }
0x234: {  	v4 =	vperm.xlane v3, v0;
	_ =	sdelay $0x1  }
0x235: {  	v3 =	vperm.xlane v3, v2;
	v4 =	vadd.s32 v1, v4;
	_ =	sdelay $0x1  }
0x236: {  	v3 =	vadd.s32 v1, v3;
	_ =	sdelay $0x2  }
0x237: {  	[tilespmem:s28], [sflag:$0x1] =	stream.indirect_vreg.gather [hbm4b:s4+s2], $0x80, v4, vm0, $0xb8;
	[tilespmem:$0x18400] =	vst v63  }
0x238: {  	s19 =	simm.s32 $0xC00  }
0x239: {  	[tilespmem:s19], [sflag:$0x1] =	stream.indirect_vreg.gather [hbm4b:s4+s2], $0x80, v3, vm0, $0xb8;
	[tilespmem:$0x18400] =	vst v63  }
0x23a: {  	v3 =	vld [tilespmem:$0x310];
	_ =	sdelay $0x4  }
0x23b: {  	v49 =	vshll.u32 v3, $0x1  }
0x23c: {  	v3 =	vand.u32 $0x7, v3;
	v4 =	vand.u32 $0xFFFFFFF0, v49  }
0x23d: {  	v3 =	vor.u32 v3, v4  }
0x23e: {  	v4 =	vperm.xlane v3, v0;
	_ =	sdelay $0x1  }
0x23f: {  	v3 =	vperm.xlane v3, v2;
	v4 =	vadd.s32 v1, v4;
	_ =	sdelay $0x1  }
0x240: {  	v3 =	vadd.s32 v1, v3;
	_ =	sdelay $0x1  }
0x241: {  	s19 =	simm.s32 $0x1400  }
0x242: {  	[tilespmem:s19], [sflag:$0x1] =	stream.indirect_vreg.gather [hbm4b:s4+s2], $0x80, v4, vm0, $0xb8;
	[tilespmem:$0x18400] =	vst v63  }
0x243: {  	s19 =	simm.s32 $0x1C00  }
0x244: {  	[tilespmem:s19], [sflag:$0x1] =	stream.indirect_vreg.gather [hbm4b:s4+s2], $0x80, v3, vm0, $0xb8;
	[tilespmem:$0x18400] =	vst v63  }
0x245: {  	v3 =	vld [tilespmem:$0x320];
	_ =	sdelay $0x4  }
0x246: {  	v50 =	vshll.u32 v3, $0x1  }
0x247: {  	v3 =	vand.u32 $0x7, v3;
	v4 =	vand.u32 $0xFFFFFFF0, v50  }
0x248: {  	v3 =	vor.u32 v3, v4  }
0x249: {  	v4 =	vperm.xlane v3, v0;
	_ =	sdelay $0x1  }
0x24a: {  	v3 =	vperm.xlane v3, v2;
	v4 =	vadd.s32 v1, v4;
	_ =	sdelay $0x1  }
0x24b: {  	v3 =	vadd.s32 v1, v3;
	_ =	sdelay $0x1  }
0x24c: {  	s19 =	simm.s32 $0x2400  }
0x24d: {  	[tilespmem:s19], [sflag:$0x1] =	stream.indirect_vreg.gather [hbm4b:s4+s2], $0x80, v4, vm0, $0xb8;
	[tilespmem:$0x18400] =	vst v63  }
0x24e: {  	s19 =	simm.s32 $0x2C00  }
0x24f: {  	[tilespmem:s19], [sflag:$0x1] =	stream.indirect_vreg.gather [hbm4b:s4+s2], $0x80, v3, vm0, $0xb8;
	[tilespmem:$0x18400] =	vst v63  }
0x250: {  	v3 =	vld [tilespmem:$0x330];
	_ =	sdelay $0x4  }
0x251: {  	v51 =	vshll.u32 v3, $0x1  }
0x252: {  	v3 =	vand.u32 $0x7, v3;
	v4 =	vand.u32 $0xFFFFFFF0, v51  }
0x253: {  	v3 =	vor.u32 v3, v4  }
0x254: {  	v4 =	vperm.xlane v3, v0;
	_ =	sdelay $0x1  }
0x255: {  	v3 =	vperm.xlane v3, v2;
	v4 =	vadd.s32 v1, v4;
	_ =	sdelay $0x1  }
0x256: {  	v3 =	vadd.s32 v1, v3;
	_ =	sdelay $0x1  }
0x257: {  	s19 =	simm.s32 $0x3400  }
0x258: {  	[tilespmem:s19], [sflag:$0x1] =	stream.indirect_vreg.gather [hbm4b:s4+s2], $0x80, v4, vm0, $0xb8;
	[tilespmem:$0x18400] =	vst v63  }
0x259: {  	s19 =	simm.s32 $0x3C00  }
0x25a: {  	[tilespmem:s19], [sflag:$0x1] =	stream.indirect_vreg.gather [hbm4b:s4+s2], $0x80, v3, vm0, $0xb8;
	[tilespmem:$0x18400] =	vst v63  }
0x25b: {  	v3 =	vld [tilespmem:$0x340];
	_ =	sdelay $0x4  }
0x25c: {  	v52 =	vshll.u32 v3, $0x1  }
0x25d: {  	v3 =	vand.u32 $0x7, v3;
	v4 =	vand.u32 $0xFFFFFFF0, v52  }
0x25e: {  	v3 =	vor.u32 v3, v4  }
0x25f: {  	v4 =	vperm.xlane v3, v0;
	_ =	sdelay $0x1  }
0x260: {  	v3 =	vperm.xlane v3, v2;
	v4 =	vadd.s32 v1, v4;
	_ =	sdelay $0x1  }
0x261: {  	v3 =	vadd.s32 v1, v3;
	_ =	sdelay $0x2  }
0x262: {  	[tilespmem:s29], [sflag:$0x1] =	stream.indirect_vreg.gather [hbm4b:s4+s2], $0x80, v4, vm0, $0xb8;
	[tilespmem:$0x18400] =	vst v63  }
0x263: {  	_ = 	snop  }
0x264: {  	[tilespmem:s30], [sflag:$0x1] =	stream.indirect_vreg.gather [hbm4b:s4+s2], $0x80, v3, vm0, $0xb8;
	[tilespmem:$0x18400] =	vst v63  }
0x265: {  	v3 =	vld [tilespmem:$0x350];
	_ =	sdelay $0x4  }
0x266: {  	v53 =	vshll.u32 v3, $0x1  }
0x267: {  	v3 =	vand.u32 $0x7, v3;
	v4 =	vand.u32 $0xFFFFFFF0, v53  }
0x268: {  	v3 =	vor.u32 v3, v4  }
0x269: {  	v4 =	vperm.xlane v3, v0;
	_ =	sdelay $0x1  }
0x26a: {  	v3 =	vperm.xlane v3, v2;
	v4 =	vadd.s32 v1, v4;
	_ =	sdelay $0x1  }
0x26b: {  	v3 =	vadd.s32 v1, v3;
	_ =	sdelay $0x2  }
0x26c: {  	[tilespmem:s31], [sflag:$0x1] =	stream.indirect_vreg.gather [hbm4b:s4+s2], $0x80, v4, vm0, $0xb8;
	[tilespmem:$0x18400] =	vst v63  }
0x26d: {  	s19 =	simm.s32 $0x5C00  }
0x26e: {  	[tilespmem:s19], [sflag:$0x1] =	stream.indirect_vreg.gather [hbm4b:s4+s2], $0x80, v3, vm0, $0xb8;
	[tilespmem:$0x18400] =	vst v63  }
0x26f: {  	v3 =	vld [tilespmem:$0x360];
	_ =	sdelay $0x4  }
0x270: {  	v54 =	vshll.u32 v3, $0x1  }
0x271: {  	v3 =	vand.u32 $0x7, v3;
	v4 =	vand.u32 $0xFFFFFFF0, v54  }
0x272: {  	v3 =	vor.u32 v3, v4  }
0x273: {  	v4 =	vperm.xlane v3, v0;
	_ =	sdelay $0x1  }
0x274: {  	v3 =	vperm.xlane v3, v2;
	v4 =	vadd.s32 v1, v4;
	_ =	sdelay $0x1  }
0x275: {  	v3 =	vadd.s32 v1, v3;
	_ =	sdelay $0x1  }
0x276: {  	s19 =	simm.s32 $0x6400  }
0x277: {  	[tilespmem:s19], [sflag:$0x1] =	stream.indirect_vreg.gather [hbm4b:s4+s2], $0x80, v4, vm0, $0xb8;
	[tilespmem:$0x18400] =	vst v63  }
0x278: {  	s19 =	simm.s32 $0x6C00  }
0x279: {  	[tilespmem:s19], [sflag:$0x1] =	stream.indirect_vreg.gather [hbm4b:s4+s2], $0x80, v3, vm0, $0xb8;
	[tilespmem:$0x18400] =	vst v63  }
0x27a: {  	v3 =	vld [tilespmem:$0x370];
	_ =	sdelay $0x4  }
0x27b: {  	v55 =	vshll.u32 v3, $0x1  }
0x27c: {  	v3 =	vand.u32 $0x7, v3;
	v4 =	vand.u32 $0xFFFFFFF0, v55  }
0x27d: {  	v3 =	vor.u32 v3, v4  }
0x27e: {  	v4 =	vperm.xlane v3, v0;
	_ =	sdelay $0x1  }
0x27f: {  	v3 =	vperm.xlane v3, v2;
	v4 =	vadd.s32 v1, v4;
	_ =	sdelay $0x1  }
0x280: {  	v3 =	vadd.s32 v1, v3;
	_ =	sdelay $0x1  }
0x281: {  	s19 =	simm.s32 $0x7400  }
0x282: {  	[tilespmem:s19], [sflag:$0x1] =	stream.indirect_vreg.gather [hbm4b:s4+s2], $0x80, v4, vm0, $0xb8;
	[tilespmem:$0x18400] =	vst v63  }
0x283: {  	s19 =	simm.s32 $0x7C00  }
0x284: {  	[tilespmem:s19], [sflag:$0x1] =	stream.indirect_vreg.gather [hbm4b:s4+s2], $0x80, v3, vm0, $0xb8;
	[tilespmem:$0x18400] =	vst v63  }
0x285: {  	_ =	swait.ge [sflag:s15], $0x8000  }
0x286: {  	[sflag:s15] =	ssyncset.done $0x0  }
0x287: {  	s1 =	rddreg [dreg:$0x7];
	[sflag:s15] =	ssyncadd.s32 $0xFFFF8000  }
0x288: {  	[hbm4b:s1+s2] =	stream.linear.scatter [tilespmem:s23], [sflag:$0x5], $0x8000, $0x38;
	[tilespmem:$0x18400] =	vst v63  }
0x289: {  	_ =	swait.ge [sflag:s16], $0x8000  }
0x28a: {  	[sflag:s16] =	ssyncset.done $0x0  }
0x28b: {  	[sflag:s16] =	ssyncadd.s32 $0xFFFF8000  }
0x28c: {  	v3 =	vld [tilespmem:$0x380];
	_ =	sdelay $0x4  }
0x28d: {  	v56 =	vshll.u32 v3, $0x1  }
0x28e: {  	v3 =	vand.u32 $0x7, v3;
	v4 =	vand.u32 $0xFFFFFFF0, v56  }
0x28f: {  	v3 =	vor.u32 v3, v4  }
0x290: {  	v4 =	vperm.xlane v3, v0;
	_ =	sdelay $0x1  }
0x291: {  	v3 =	vperm.xlane v3, v2;
	v4 =	vadd.s32 v1, v4;
	_ =	sdelay $0x1  }
0x292: {  	v3 =	vadd.s32 v1, v3;
	_ =	sdelay $0x2  }
0x293: {  	[tilespmem:s23], [sflag:$0x2] =	stream.indirect_vreg.gather [hbm4b:s4+s2], $0x80, v4, vm0, $0xb8;
	[tilespmem:$0x18400] =	vst v63  }
0x294: {  	s19 =	simm.s32 $0x8C00  }
0x295: {  	[tilespmem:s19], [sflag:$0x2] =	stream.indirect_vreg.gather [hbm4b:s4+s2], $0x80, v3, vm0, $0xb8;
	[tilespmem:$0x18400] =	vst v63  }
0x296: {  	v3 =	vld [tilespmem:$0x390];
	_ =	sdelay $0x4  }
0x297: {  	v57 =	vshll.u32 v3, $0x1  }
0x298: {  	v3 =	vand.u32 $0x7, v3;
	v4 =	vand.u32 $0xFFFFFFF0, v57  }
0x299: {  	v3 =	vor.u32 v3, v4  }
0x29a: {  	v4 =	vperm.xlane v3, v0;
	_ =	sdelay $0x1  }
0x29b: {  	v3 =	vperm.xlane v3, v2;
	v4 =	vadd.s32 v1, v4;
	_ =	sdelay $0x1  }
0x29c: {  	v3 =	vadd.s32 v1, v3;
	_ =	sdelay $0x1  }
0x29d: {  	s19 =	simm.s32 $0x9400  }
0x29e: {  	[tilespmem:s19], [sflag:$0x2] =	stream.indirect_vreg.gather [hbm4b:s4+s2], $0x80, v4, vm0, $0xb8;
	[tilespmem:$0x18400] =	vst v63  }
0x29f: {  	s19 =	simm.s32 $0x9C00  }
0x2a0: {  	[tilespmem:s19], [sflag:$0x2] =	stream.indirect_vreg.gather [hbm4b:s4+s2], $0x80, v3, vm0, $0xb8;
	[tilespmem:$0x18400] =	vst v63  }
0x2a1: {  	v3 =	vld [tilespmem:$0x3A0];
	_ =	sdelay $0x4  }
0x2a2: {  	v58 =	vshll.u32 v3, $0x1  }
0x2a3: {  	v3 =	vand.u32 $0x7, v3;
	v4 =	vand.u32 $0xFFFFFFF0, v58  }
0x2a4: {  	v3 =	vor.u32 v3, v4  }
0x2a5: {  	v4 =	vperm.xlane v3, v0;
	_ =	sdelay $0x1  }
0x2a6: {  	v3 =	vperm.xlane v3, v2;
	v4 =	vadd.s32 v1, v4;
	_ =	sdelay $0x1  }
0x2a7: {  	v3 =	vadd.s32 v1, v3;
	_ =	sdelay $0x1  }
0x2a8: {  	s19 =	simm.s32 $0xA400  }
0x2a9: {  	[tilespmem:s19], [sflag:$0x2] =	stream.indirect_vreg.gather [hbm4b:s4+s2], $0x80, v4, vm0, $0xb8;
	[tilespmem:$0x18400] =	vst v63  }
0x2aa: {  	s19 =	simm.s32 $0xAC00  }
0x2ab: {  	[tilespmem:s19], [sflag:$0x2] =	stream.indirect_vreg.gather [hbm4b:s4+s2], $0x80, v3, vm0, $0xb8;
	[tilespmem:$0x18400] =	vst v63  }
0x2ac: {  	v3 =	vld [tilespmem:$0x3B0];
	_ =	sdelay $0x4  }
0x2ad: {  	v59 =	vshll.u32 v3, $0x1  }
0x2ae: {  	v3 =	vand.u32 $0x7, v3;
	v4 =	vand.u32 $0xFFFFFFF0, v59  }
0x2af: {  	v3 =	vor.u32 v3, v4  }
0x2b0: {  	v4 =	vperm.xlane v3, v0;
	_ =	sdelay $0x1  }
0x2b1: {  	v3 =	vperm.xlane v3, v2;
	v4 =	vadd.s32 v1, v4;
	_ =	sdelay $0x1  }
0x2b2: {  	v3 =	vadd.s32 v1, v3;
	_ =	sdelay $0x1  }
0x2b3: {  	s19 =	simm.s32 $0xB400  }
0x2b4: {  	[tilespmem:s19], [sflag:$0x2] =	stream.indirect_vreg.gather [hbm4b:s4+s2], $0x80, v4, vm0, $0xb8;
	[tilespmem:$0x18400] =	vst v63  }
0x2b5: {  	s19 =	simm.s32 $0xBC00  }
0x2b6: {  	[tilespmem:s19], [sflag:$0x2] =	stream.indirect_vreg.gather [hbm4b:s4+s2], $0x80, v3, vm0, $0xb8;
	[tilespmem:$0x18400] =	vst v63  }
0x2b7: {  	v3 =	vld [tilespmem:$0x3C0];
	_ =	sdelay $0x4  }
0x2b8: {  	v60 =	vshll.u32 v3, $0x1  }
0x2b9: {  	v3 =	vand.u32 $0x7, v3;
	v4 =	vand.u32 $0xFFFFFFF0, v60  }
0x2ba: {  	v3 =	vor.u32 v3, v4  }
0x2bb: {  	v4 =	vperm.xlane v3, v0;
	_ =	sdelay $0x1  }
0x2bc: {  	v3 =	vperm.xlane v3, v2;
	v4 =	vadd.s32 v1, v4;
	_ =	sdelay $0x1  }
0x2bd: {  	v3 =	vadd.s32 v1, v3;
	_ =	sdelay $0x1  }
0x2be: {  	s19 =	simm.s32 $0xC400  }
0x2bf: {  	[tilespmem:s19], [sflag:$0x2] =	stream.indirect_vreg.gather [hbm4b:s4+s2], $0x80, v4, vm0, $0xb8;
	[tilespmem:$0x18400] =	vst v63  }
0x2c0: {  	s19 =	simm.s32 $0xCC00  }
0x2c1: {  	[tilespmem:s19], [sflag:$0x2] =	stream.indirect_vreg.gather [hbm4b:s4+s2], $0x80, v3, vm0, $0xb8;
	[tilespmem:$0x18400] =	vst v63  }
0x2c2: {  	v3 =	vld [tilespmem:$0x3D0];
	_ =	sdelay $0x4  }
0x2c3: {  	v61 =	vshll.u32 v3, $0x1  }
0x2c4: {  	v3 =	vand.u32 $0x7, v3;
	v4 =	vand.u32 $0xFFFFFFF0, v61  }
0x2c5: {  	v3 =	vor.u32 v3, v4  }
0x2c6: {  	v4 =	vperm.xlane v3, v0;
	_ =	sdelay $0x1  }
0x2c7: {  	v3 =	vperm.xlane v3, v2;
	v4 =	vadd.s32 v1, v4;
	_ =	sdelay $0x1  }
0x2c8: {  	v3 =	vadd.s32 v1, v3;
	_ =	sdelay $0x1  }
0x2c9: {  	s19 =	simm.s32 $0xD400  }
0x2ca: {  	[tilespmem:s19], [sflag:$0x2] =	stream.indirect_vreg.gather [hbm4b:s4+s2], $0x80, v4, vm0, $0xb8;
	[tilespmem:$0x18400] =	vst v63  }
0x2cb: {  	s19 =	simm.s32 $0xDC00  }
0x2cc: {  	[tilespmem:s19], [sflag:$0x2] =	stream.indirect_vreg.gather [hbm4b:s4+s2], $0x80, v3, vm0, $0xb8;
	[tilespmem:$0x18400] =	vst v63  }
0x2cd: {  	v3 =	vld [tilespmem:$0x3E0];
	_ =	sdelay $0x4  }
0x2ce: {  	v62 =	vshll.u32 v3, $0x1  }
0x2cf: {  	v3 =	vand.u32 $0x7, v3;
	v4 =	vand.u32 $0xFFFFFFF0, v62  }
0x2d0: {  	v3 =	vor.u32 v3, v4  }
0x2d1: {  	v4 =	vperm.xlane v3, v0;
	_ =	sdelay $0x1  }
0x2d2: {  	v3 =	vperm.xlane v3, v2;
	v4 =	vadd.s32 v1, v4;
	_ =	sdelay $0x1  }
0x2d3: {  	v3 =	vadd.s32 v1, v3;
	_ =	sdelay $0x1  }
0x2d4: {  	s19 =	simm.s32 $0xE400  }
0x2d5: {  	[tilespmem:s19], [sflag:$0x2] =	stream.indirect_vreg.gather [hbm4b:s4+s2], $0x80, v4, vm0, $0xb8;
	[tilespmem:$0x18400] =	vst v63  }
0x2d6: {  	s19 =	simm.s32 $0xEC00  }
0x2d7: {  	[tilespmem:s19], [sflag:$0x2] =	stream.indirect_vreg.gather [hbm4b:s4+s2], $0x80, v3, vm0, $0xb8;
	[tilespmem:$0x18400] =	vst v63  }
0x2d8: {  	v3 =	vld [tilespmem:$0x3F0];
	_ =	sdelay $0x4  }
0x2d9: {  	v63 =	vshll.u32 v3, $0x1  }
0x2da: {  	v3 =	vand.u32 $0x7, v3;
	v4 =	vand.u32 $0xFFFFFFF0, v63  }
0x2db: {  	v3 =	vor.u32 v3, v4  }
0x2dc: {  	v4 =	vperm.xlane v3, v0;
	_ =	sdelay $0x1  }
0x2dd: {  	v3 =	vperm.xlane v3, v2;
	v4 =	vadd.s32 v1, v4;
	_ =	sdelay $0x1  }
0x2de: {  	v3 =	vadd.s32 v1, v3;
	_ =	sdelay $0x1  }
0x2df: {  	s19 =	simm.s32 $0xF400  }
0x2e0: {  	[tilespmem:s19], [sflag:$0x2] =	stream.indirect_vreg.gather [hbm4b:s4+s2], $0x80, v4, vm0, $0xb8;
	[tilespmem:$0x18400] =	vst v63  }
0x2e1: {  	s19 =	simm.s32 $0xFC00  }
0x2e2: {  	[tilespmem:s19], [sflag:$0x2] =	stream.indirect_vreg.gather [hbm4b:s4+s2], $0x80, v3, vm0, $0xb8;
	[tilespmem:$0x18400] =	vst v63  }
0x2e3: {  	_ =	swait.ge [sflag:s17], $0x8000  }
0x2e4: {  	[sflag:s17] =	ssyncset.done $0x0  }
0x2e5: {  	s1 =	rddreg [dreg:$0x8];
	[sflag:s17] =	ssyncadd.s32 $0xFFFF8000  }
0x2e6: {  	[hbm4b:s1+s2] =	stream.linear.scatter [tilespmem:s0], [sflag:$0x6], $0x8000, $0x38;
	[tilespmem:$0x18400] =	vst v63  }
0x2e7: {  	_ =	swait.ge [sflag:s13], $0x8000  }
0x2e8: {  	[sflag:s13] =	ssyncset.done $0x0  }
0x2e9: {  	s0 =	rddreg [dreg:$0x9];
	[sflag:s13] =	ssyncadd.s32 $0xFFFF8000  }
0x2ea: {  	[hbm4b:s0+s2] =	stream.linear.scatter [tilespmem:s28], [sflag:$0x4], $0x8000, $0x38;
	[tilespmem:$0x18400] =	vst v63  }
0x2eb: {  	_ =	swait.ge [sflag:s15], $0x8000  }
0x2ec: {  	[sflag:s15] =	ssyncset.done $0x0  }
0x2ed: {  	s1 =	rddreg [dreg:$0xa];
	[sflag:s15] =	ssyncadd.s32 $0xFFFF8000  }
0x2ee: {  	[hbm4b:s1+s2] =	stream.linear.scatter [tilespmem:s23], [sflag:$0x5], $0x8000, $0x38;
	[tilespmem:$0x18400] =	vst v63  }
0x2ef: {  	_ =	swait.ge [sflag:s14], $0x8000  }
0x2f0: {  	[sflag:s14] =	ssyncset.done $0x0  }
0x2f1: {  	[sflag:s14] =	ssyncadd.s32 $0xFFFF8000  }
0x2f2: {  	p0 =	sne.s32 s5, $0x1;
	_ =	swait.ge [sflag:s16], $0x8000  }
.Ltmp0:
0x2f3: {  	[sflag:s16] =	ssyncset.done $0x0;
	(pc) =	sbr.rel @p0 .LBB2_1-.Ltmp0, $4  }
0x2f4: {  	[sflag:s16] =	ssyncadd.s32 $0xFFFF8000  }
0x2f5: {  	_ =	swait.ge [sflag:s18], $0x8000  }
0x2f6: {  	[sflag:s18] =	ssyncset.done $0x0  }
0x2f7: {  	s5 =	sadd.s32 $0xFFFFFFFF, s5;
	[sflag:s18] =	ssyncadd.s32 $0xFFFF8000  }
0x2f8: {  	_ =	sfence.sel $0x180000  }
0x2f9: {  	[bflag:$0x0] =	sbarrier.arrive $0xFFFF  }
0x2fa: {  	_ =	strace $0x90000047  }
0x2fb: {  	s0 =	stileid.u32;
	[bflag:$0x2] =	sbarrier.arrive $0xFFFF  }
0x2fc: {  	p0 =	sne.s32 s0, $0x0;
	s0 =	rddreg [dreg:$0x2]  }
0x2fd: {  	s0 =	sadd.s32 @!p0 $0x100000, s0  }
0x2fe: {  	[sflag:s0] =	ssyncadd.tile.s32 @!p0 $0x1;
	_ =	shalt  }
.Lfunc_end2:
_tile_overlayer_lowered:
.L_overlay_start_2:
0x2ff: {  	(tag) =	ssettag $0x2  }
0x300: {  	s0 =	rddreg [dreg:$0x0];
	s2 =	stileid.u32  }
0x301: {  	s1 =	rddreg [dreg:$0x1];
	p0 =	sne.s32 s2, $0x0  }
0x302: {  	s3 =	rddreg [dreg:$0x2];
	[bflag:$0x3] =	sbarrier.arrive $0xFFFF;
	s2 =	simm.s32 @!p0 $0x1C07  }
0x303: {  	[timem:s3], [sflag:s2] =	dma.local @!p0 [hbm:s0], s1  }
0x304: {  	s0 =	simm.s32 @!p0 $0x7  }
0x305: {  	_ =	swait.ge @!p0 [sflag:s0], s1  }
0x306: {  	s1 =	ssub.s32 @!p0 $0x0, s1;
	[sflag:s0] =	ssyncset.done @!p0 $0x0  }
0x307: {  	[sflag:s0] =	ssyncadd.s32 @!p0 s1  }
0x308: {  	[bflag:$0x3] =	sbarrier.arrive $0xFFFF  }
0x309: {  	_ =	shalt  }

</sc_bundles>
